<compile_context>
chip_gen: v7x
topology: tpu7x:2x2x1
jax: 0.10.2.dev20260603
libtpu: 0.0.44.dev20260713+nightly
codegen_flags: <defaults>
</compile_context>

<pallas_src>
import functools

import jax
import jax.numpy as jnp
from jax import lax
from jax.experimental import pallas as pl
from jax.experimental.pallas import tpu as pltpu
from jax.experimental.pallas import tpu_sc as plsc

BN = 512
KC = 128
SLICE_ROWS = (12288, 4096)


def _vq_dist_body(x_ref, w_ref, x2_ref, z2_ref, idx_ref, losssum_ref,
                  w2_scr):
    nt = pl.program_id(0)

    @pl.when(nt == 0)
    def _():
        w = w_ref[...]
        w2_scr[...] = w + w

    x = x_ref[...]
    w2 = w2_scr[...]
    k = w2.shape[0]
    x2 = x2_ref[0, 0, :][:, None]
    s2 = lax.dot_general(x, w2, (((1,), (1,)), ((), ())),
                         preferred_element_type=jnp.float32)
    n_chunks = k // KC
    mval = None
    mchunk = None
    for c in range(n_chunks):
        z2c = z2_ref[c * KC:(c + 1) * KC][None, :]
        dc = (x2 + z2c) - s2[:, c * KC:(c + 1) * KC]
        if c == 0:
            mval = dc
            mchunk = jnp.zeros(dc.shape, jnp.float32)
        else:
            take = dc < mval
            mval = jnp.minimum(mval, dc)
            mchunk = jnp.where(take, float(c), mchunk)
    dmin = jnp.min(mval, axis=1, keepdims=True)
    lane = lax.broadcasted_iota(jnp.int32, mval.shape, 1).astype(jnp.float32)
    cand = mchunk * float(KC) + lane
    idxf = jnp.min(jnp.where(mval == dmin, cand, float(k)), axis=1)
    idx_ref[...] = idxf.astype(jnp.int32)

    @pl.when(nt == 0)
    def _():
        losssum_ref[0, 0] = 0.0

    losssum_ref[0, 0] += jnp.sum(dmin)


def _vq_distances_slice(x, w, x2, z2, row_base, ns):
    n, d = x.shape
    k, _ = w.shape
    row0 = row_base // BN
    grid = (ns // BN,)
    return pl.pallas_call(
        _vq_dist_body,
        grid=grid,
        in_specs=[
            pl.BlockSpec((BN, d), lambda i: (row0 + i, 0)),
            pl.BlockSpec((k, d), lambda i: (0, 0)),
            pl.BlockSpec((1, 1, BN), lambda i: (row0 + i, 0, 0)),
            pl.BlockSpec((k,), lambda i: (0,)),
        ],
        out_specs=[
            pl.BlockSpec((BN,), lambda i: (i,)),
            pl.BlockSpec(memory_space=pltpu.SMEM),
        ],
        out_shape=[
            jax.ShapeDtypeStruct((ns,), jnp.int32),
            jax.ShapeDtypeStruct((1, 1), jnp.float32),
        ],
        scratch_shapes=[pltpu.VMEM((k, d), jnp.float32)],
    )(x, w, x2, z2)


def _make_sc_gather_slice(d, ns, slice_base):
    info = plsc.get_sparse_core_info()
    nw = info.num_cores * info.num_subcores
    b_per_w = ns // nw
    chunk = next(c for c in range(min(64, b_per_w), 0, -8)
                 if b_per_w % c == 0)
    n_chunks = b_per_w // chunk
    mesh = plsc.VectorSubcoreMesh(core_axis_name="c", subcore_axis_name="s")

    @functools.partial(
        pl.kernel,
        mesh=mesh,
        out_type=(),
        scratch_types=[
            pltpu.VMEM((b_per_w,), jnp.int32),
            pltpu.VMEM((chunk, d), jnp.float32),
            pltpu.VMEM((chunk, d), jnp.float32),
            pltpu.SemaphoreType.DMA,
            pltpu.SemaphoreType.DMA,
            pltpu.SemaphoreType.DMA,
            pltpu.SemaphoreType.DMA,
        ],
    )
    def gather_kernel(table_hbm, idx_hbm, vq_hbm,
                      idx_v, rows0, rows1, gsem0, gsem1, wsem0, wsem1):
        wid = lax.axis_index("s") * info.num_cores + lax.axis_index("c")
        base = wid * b_per_w
        pltpu.sync_copy(idx_hbm.at[pl.ds(base, b_per_w)], idx_v)

        bufs = (rows0, rows1)
        gsems = (gsem0, gsem1)
        wsems = (wsem0, wsem1)

        def gath(c):
            return pltpu.async_copy(
                table_hbm.at[idx_v.at[pl.ds(c * chunk, chunk)]],
                bufs[c % 2], gsems[c % 2])

        writes = [None, None]
        gathers = [None, None]
        gathers[0] = gath(0)
        for c in range(n_chunks):
            nxt = c + 1
            if nxt < n_chunks:
                if writes[nxt % 2] is not None:
                    writes[nxt % 2].wait()
                gathers[nxt % 2] = gath(nxt)
            gathers[c % 2].wait()
            writes[c % 2] = pltpu.async_copy(
                bufs[c % 2],
                vq_hbm.at[pl.ds(slice_base + base + c * chunk, chunk)],
                wsems[c % 2])
        writes[(n_chunks - 1) % 2].wait()
        if n_chunks >= 2:
            writes[(n_chunks - 2) % 2].wait()

    return gather_kernel


def kernel(x, embed_weight):
    n, dim = x.shape
    k, _ = embed_weight.shape
    x2 = jnp.sum(x ** 2, axis=1).reshape(n // BN, 1, BN)
    z2 = jnp.sum(embed_weight ** 2, axis=1)
    vq_ref = jax.empty_ref(jax.ShapeDtypeStruct((n, dim), jnp.float32))
    losssum = jnp.float32(0.0)
    row_base = 0
    for ns in SLICE_ROWS:
        idx_s, ls = _vq_distances_slice(x, embed_weight, x2, z2, row_base, ns)
        losssum = losssum + ls[0, 0]
        _make_sc_gather_slice(dim, ns, row_base)(embed_weight, idx_s, vq_ref)
        row_base += ns
    loss = losssum * (1.25 / (n * dim))
    return (jax.freeze(vq_ref), loss)

# --- scband reference (transcript-rebuilt; emitter-appended) ---
"""Pipeline reference for scband-vector-quantizer-14448269984284 (READ-ONLY COPY).

The authoritative reference and input builder live on the scoring server;
editing this copy changes nothing except your own understanding.
"""

import jax, jax.numpy as jnp
import numpy as np


def setup_inputs(seed: int = 0) -> dict:
    key = jax.random.key(seed)
    k1, k2 = jax.random.split(key)
    x = jax.random.normal(k1, (16384, 512), dtype=jnp.float32)
    # nn.Embedding weight re-initialized with uniform_(-1, 1) in __init__
    embed_weight = jax.random.uniform(k2, (4096, 512), dtype=jnp.float32, minval=-1.0, maxval=1.0)
    return {"x": x, "embed_weight": embed_weight}


def reference(x, embed_weight):
    beta = 0.25
    gamma = 1.0
    # pairwise squared distances d[i, j] = ||x_i||^2 + ||z_j||^2 - 2 x_i . z_j
    x2 = jnp.sum(x ** 2, axis=1, keepdims=True)          # [N, 1]
    z2 = jnp.sum(embed_weight ** 2, axis=1)               # [K]
    xz = jnp.matmul(x, embed_weight.T)                    # [N, K]  (compute-dominant)
    d = x2 + z2 - 2.0 * xz
    idx = jnp.argmin(d, axis=1)                           # [N]
    vq_x = jnp.take(embed_weight, idx, axis=0)            # embedding gather [N, dim]
    loss_x = jnp.mean((x - jax.lax.stop_gradient(vq_x)) ** 2)
    loss_embed = jnp.mean((jax.lax.stop_gradient(x) - vq_x) ** 2)
    loss = loss_x * beta + loss_embed * gamma
    # straight-through estimator
    vq_out = x + jax.lax.stop_gradient(vq_x - x)
    return (vq_out, loss)

if __name__ == "__main__":
    import jax
    _d = setup_inputs()
    print(jax.jit(kernel)(*tuple(_d.values())))

</pallas_src>

<mosaic_0001>
#map = affine_map<(d0, d1) -> (0, 0)>
#map1 = affine_map<(d0, d1) -> (0)>
module attributes {stable_mosaic.version = 14 : i64} {
  func.func @new_body(%arg0: i32, %arg1: i32, %arg2: memref<4096x512xf32, #tpu.memory_space<hbm>>, %arg3: memref<12288xi32, #tpu.memory_space<hbm>>, %arg4: memref<16384x512xf32, #tpu.memory_space<hbm>>, %arg5: memref<16384x512xf32, #tpu.memory_space<hbm>>, %arg6: memref<384xi32, #tpu.memory_space<vmem>>, %arg7: memref<64x512xf32, #tpu.memory_space<vmem>>, %arg8: memref<64x512xf32, #tpu.memory_space<vmem>>, %arg9: memref<!tpu.dma_semaphore, #tpu.memory_space<semaphore_mem>>, %arg10: memref<!tpu.dma_semaphore, #tpu.memory_space<semaphore_mem>>, %arg11: memref<!tpu.dma_semaphore, #tpu.memory_space<semaphore_mem>>, %arg12: memref<!tpu.dma_semaphore, #tpu.memory_space<semaphore_mem>>) attributes {dimension_semantics = [#tpu.dimension_semantics<core_parallel>, #tpu.dimension_semantics<subcore_parallel>], iteration_bounds = array<i64: 2, 16>, scalar_prefetch = 0 : i64, scratch_operands = 7 : i64, tpu.core_type = #tpu.core_type<sc_vector_subcore>, window_params = [{transform_indices = #map}, {transform_indices = #map1}, {transform_indices = #map}, {transform_indices = #map}]} {
    %mul3A = arith.constant 2 : i32
    %mul3A_0 = arith.muli %arg1, %mul3A : i32
    %add3A = arith.addi %mul3A_0, %arg0 : i32
    %mul3A_1 = arith.constant 384 : i32
    %mul3A_2 = arith.muli %add3A, %mul3A_1 : i32
    "tpu.region"() ({
      %run_scoped3A = tpu.sem_alloc : memref<!tpu.dma_semaphore, #tpu.memory_space<semaphore_mem>>
      %dma_start3A_133 = tpu.memref_slice %arg3[%mul3A_2] : memref<12288xi32, #tpu.memory_space<hbm>> -> memref<384xi32, #tpu.memory_space<hbm>>
      %dma_start3A_134 = tpu.memref_slice %arg3[%mul3A_2] : memref<12288xi32, #tpu.memory_space<hbm>> -> memref<384xi32, #tpu.memory_space<hbm>>
      tpu.enqueue_dma source(%dma_start3A_134 : memref<384xi32, #tpu.memory_space<hbm>>) target(%arg6 : memref<384xi32, #tpu.memory_space<vmem>>) target_semaphore(%run_scoped3A : memref<!tpu.dma_semaphore, #tpu.memory_space<semaphore_mem>>)
      %dma_wait3A_135 = tpu.memref_slice %arg3[%mul3A_2] : memref<12288xi32, #tpu.memory_space<hbm>> -> memref<384xi32, #tpu.memory_space<hbm>>
      %dma_wait3A_136 = tpu.memref_slice %arg3[%mul3A_2] : memref<12288xi32, #tpu.memory_space<hbm>> -> memref<384xi32, #tpu.memory_space<hbm>>
      tpu.wait_dma2 semaphore(%run_scoped3A : memref<!tpu.dma_semaphore, #tpu.memory_space<semaphore_mem>>) src(%dma_wait3A_136 : memref<384xi32, #tpu.memory_space<hbm>>) dst(%arg6 : memref<384xi32, #tpu.memory_space<vmem>>)
      tpu.yield
    }) : () -> ()
    %dma_start3A = arith.constant 0 : i32
    %dma_start3A_3 = tpu.memref_slice %arg6[%dma_start3A] : memref<384xi32, #tpu.memory_space<vmem>> -> memref<64xi32, #tpu.memory_space<vmem>>
    %dma_start3A_4 = arith.constant 0 : i32
    %dma_start3A_5 = arith.constant 0 : i32
    %dma_start3A_6 = tpu.memref_slice %arg2[%dma_start3A_4, %dma_start3A_5] : memref<4096x512xf32, #tpu.memory_space<hbm>> -> memref<4096x512xf32, #tpu.memory_space<hbm>>
    tpu.enqueue_indirect_dma source(%dma_start3A_6 : memref<4096x512xf32, #tpu.memory_space<hbm>>) target(%arg7 : memref<64x512xf32, #tpu.memory_space<vmem>>) offsets(%dma_start3A_3 : memref<64xi32, #tpu.memory_space<vmem>>) semaphore(%arg9 : memref<!tpu.dma_semaphore, #tpu.memory_space<semaphore_mem>>)
    %dma_start3A_7 = arith.constant 64 : i32
    %dma_start3A_8 = tpu.memref_slice %arg6[%dma_start3A_7] : memref<384xi32, #tpu.memory_space<vmem>> -> memref<64xi32, #tpu.memory_space<vmem>>
    %dma_start3A_9 = arith.constant 0 : i32
    %dma_start3A_10 = arith.constant 0 : i32
    %dma_start3A_11 = tpu.memref_slice %arg2[%dma_start3A_9, %dma_start3A_10] : memref<4096x512xf32, #tpu.memory_space<hbm>> -> memref<4096x512xf32, #tpu.memory_space<hbm>>
    tpu.enqueue_indirect_dma source(%dma_start3A_11 : memref<4096x512xf32, #tpu.memory_space<hbm>>) target(%arg8 : memref<64x512xf32, #tpu.memory_space<vmem>>) offsets(%dma_start3A_8 : memref<64xi32, #tpu.memory_space<vmem>>) semaphore(%arg10 : memref<!tpu.dma_semaphore, #tpu.memory_space<semaphore_mem>>)
    %dma_wait3A = arith.constant 0 : i32
    %dma_wait3A_12 = tpu.memref_slice %arg6[%dma_wait3A] : memref<384xi32, #tpu.memory_space<vmem>> -> memref<64xi32, #tpu.memory_space<vmem>>
    %dma_wait3A_13 = arith.constant 0 : i32
    %dma_wait3A_14 = arith.constant 0 : i32
    %dma_wait3A_15 = tpu.memref_slice %arg2[%dma_wait3A_13, %dma_wait3A_14] : memref<4096x512xf32, #tpu.memory_space<hbm>> -> memref<4096x512xf32, #tpu.memory_space<hbm>>
    tpu.wait_indirect_dma semaphore(%arg9 : memref<!tpu.dma_semaphore, #tpu.memory_space<semaphore_mem>>) src(%dma_wait3A_15 : memref<4096x512xf32, #tpu.memory_space<hbm>>) dst(%arg7 : memref<64x512xf32, #tpu.memory_space<vmem>>)
    %add3A_16 = arith.constant 0 : i32
    %add3A_17 = arith.addi %add3A_16, %mul3A_2 : i32
    %add3A_18 = arith.constant 0 : i32
    %add3A_19 = arith.addi %add3A_17, %add3A_18 : i32
    %dma_start3A_20 = arith.constant 0 : i32
    %dma_start3A_21 = tpu.memref_slice %arg4[%add3A_19, %dma_start3A_20] : memref<16384x512xf32, #tpu.memory_space<hbm>> -> memref<64x512xf32, #tpu.memory_space<hbm>>
    %dma_start3A_22 = arith.constant 0 : i32
    %dma_start3A_23 = tpu.memref_slice %arg4[%add3A_19, %dma_start3A_22] : memref<16384x512xf32, #tpu.memory_space<hbm>> -> memref<64x512xf32, #tpu.memory_space<hbm>>
    tpu.enqueue_dma source(%arg7 : memref<64x512xf32, #tpu.memory_space<vmem>>) target(%dma_start3A_23 : memref<64x512xf32, #tpu.memory_space<hbm>>) target_semaphore(%arg11 : memref<!tpu.dma_semaphore, #tpu.memory_space<semaphore_mem>>)
    %dma_wait3A_24 = arith.constant 0 : i32
    %dma_wait3A_25 = tpu.memref_slice %arg4[%add3A_19, %dma_wait3A_24] : memref<16384x512xf32, #tpu.memory_space<hbm>> -> memref<64x512xf32, #tpu.memory_space<hbm>>
    %dma_wait3A_26 = arith.constant 0 : i32
    %dma_wait3A_27 = tpu.memref_slice %arg4[%add3A_19, %dma_wait3A_26] : memref<16384x512xf32, #tpu.memory_space<hbm>> -> memref<64x512xf32, #tpu.memory_space<hbm>>
    tpu.wait_dma2 semaphore(%arg11 : memref<!tpu.dma_semaphore, #tpu.memory_space<semaphore_mem>>) src(%arg7 : memref<64x512xf32, #tpu.memory_space<vmem>>) dst(%dma_wait3A_27 : memref<64x512xf32, #tpu.memory_space<hbm>>)
    %dma_start3A_28 = arith.constant 128 : i32
    %dma_start3A_29 = tpu.memref_slice %arg6[%dma_start3A_28] : memref<384xi32, #tpu.memory_space<vmem>> -> memref<64xi32, #tpu.memory_space<vmem>>
    %dma_start3A_30 = arith.constant 0 : i32
    %dma_start3A_31 = arith.constant 0 : i32
    %dma_start3A_32 = tpu.memref_slice %arg2[%dma_start3A_30, %dma_start3A_31] : memref<4096x512xf32, #tpu.memory_space<hbm>> -> memref<4096x512xf32, #tpu.memory_space<hbm>>
    tpu.enqueue_indirect_dma source(%dma_start3A_32 : memref<4096x512xf32, #tpu.memory_space<hbm>>) target(%arg7 : memref<64x512xf32, #tpu.memory_space<vmem>>) offsets(%dma_start3A_29 : memref<64xi32, #tpu.memory_space<vmem>>) semaphore(%arg9 : memref<!tpu.dma_semaphore, #tpu.memory_space<semaphore_mem>>)
    %dma_wait3A_33 = arith.constant 64 : i32
    %dma_wait3A_34 = tpu.memref_slice %arg6[%dma_wait3A_33] : memref<384xi32, #tpu.memory_space<vmem>> -> memref<64xi32, #tpu.memory_space<vmem>>
    %dma_wait3A_35 = arith.constant 0 : i32
    %dma_wait3A_36 = arith.constant 0 : i32
    %dma_wait3A_37 = tpu.memref_slice %arg2[%dma_wait3A_35, %dma_wait3A_36] : memref<4096x512xf32, #tpu.memory_space<hbm>> -> memref<4096x512xf32, #tpu.memory_space<hbm>>
    tpu.wait_indirect_dma semaphore(%arg10 : memref<!tpu.dma_semaphore, #tpu.memory_space<semaphore_mem>>) src(%dma_wait3A_37 : memref<4096x512xf32, #tpu.memory_space<hbm>>) dst(%arg8 : memref<64x512xf32, #tpu.memory_space<vmem>>)
    %add3A_38 = arith.constant 0 : i32
    %add3A_39 = arith.addi %add3A_38, %mul3A_2 : i32
    %add3A_40 = arith.constant 64 : i32
    %add3A_41 = arith.addi %add3A_39, %add3A_40 : i32
    %dma_start3A_42 = arith.constant 0 : i32
    %dma_start3A_43 = tpu.memref_slice %arg4[%add3A_41, %dma_start3A_42] : memref<16384x512xf32, #tpu.memory_space<hbm>> -> memref<64x512xf32, #tpu.memory_space<hbm>>
    %dma_start3A_44 = arith.constant 0 : i32
    %dma_start3A_45 = tpu.memref_slice %arg4[%add3A_41, %dma_start3A_44] : memref<16384x512xf32, #tpu.memory_space<hbm>> -> memref<64x512xf32, #tpu.memory_space<hbm>>
    tpu.enqueue_dma source(%arg8 : memref<64x512xf32, #tpu.memory_space<vmem>>) target(%dma_start3A_45 : memref<64x512xf32, #tpu.memory_space<hbm>>) target_semaphore(%arg12 : memref<!tpu.dma_semaphore, #tpu.memory_space<semaphore_mem>>)
    %dma_wait3A_46 = arith.constant 0 : i32
    %dma_wait3A_47 = tpu.memref_slice %arg4[%add3A_41, %dma_wait3A_46] : memref<16384x512xf32, #tpu.memory_space<hbm>> -> memref<64x512xf32, #tpu.memory_space<hbm>>
    %dma_wait3A_48 = arith.constant 0 : i32
    %dma_wait3A_49 = tpu.memref_slice %arg4[%add3A_41, %dma_wait3A_48] : memref<16384x512xf32, #tpu.memory_space<hbm>> -> memref<64x512xf32, #tpu.memory_space<hbm>>
    tpu.wait_dma2 semaphore(%arg12 : memref<!tpu.dma_semaphore, #tpu.memory_space<semaphore_mem>>) src(%arg8 : memref<64x512xf32, #tpu.memory_space<vmem>>) dst(%dma_wait3A_49 : memref<64x512xf32, #tpu.memory_space<hbm>>)
    %dma_start3A_50 = arith.constant 192 : i32
    %dma_start3A_51 = tpu.memref_slice %arg6[%dma_start3A_50] : memref<384xi32, #tpu.memory_space<vmem>> -> memref<64xi32, #tpu.memory_space<vmem>>
    %dma_start3A_52 = arith.constant 0 : i32
    %dma_start3A_53 = arith.constant 0 : i32
    %dma_start3A_54 = tpu.memref_slice %arg2[%dma_start3A_52, %dma_start3A_53] : memref<4096x512xf32, #tpu.memory_space<hbm>> -> memref<4096x512xf32, #tpu.memory_space<hbm>>
    tpu.enqueue_indirect_dma source(%dma_start3A_54 : memref<4096x512xf32, #tpu.memory_space<hbm>>) target(%arg8 : memref<64x512xf32, #tpu.memory_space<vmem>>) offsets(%dma_start3A_51 : memref<64xi32, #tpu.memory_space<vmem>>) semaphore(%arg10 : memref<!tpu.dma_semaphore, #tpu.memory_space<semaphore_mem>>)
    %dma_wait3A_55 = arith.constant 128 : i32
    %dma_wait3A_56 = tpu.memref_slice %arg6[%dma_wait3A_55] : memref<384xi32, #tpu.memory_space<vmem>> -> memref<64xi32, #tpu.memory_space<vmem>>
    %dma_wait3A_57 = arith.constant 0 : i32
    %dma_wait3A_58 = arith.constant 0 : i32
    %dma_wait3A_59 = tpu.memref_slice %arg2[%dma_wait3A_57, %dma_wait3A_58] : memref<4096x512xf32, #tpu.memory_space<hbm>> -> memref<4096x512xf32, #tpu.memory_space<hbm>>
    tpu.wait_indirect_dma semaphore(%arg9 : memref<!tpu.dma_semaphore, #tpu.memory_space<semaphore_mem>>) src(%dma_wait3A_59 : memref<4096x512xf32, #tpu.memory_space<hbm>>) dst(%arg7 : memref<64x512xf32, #tpu.memory_space<vmem>>)
    %add3A_60 = arith.constant 0 : i32
    %add3A_61 = arith.addi %add3A_60, %mul3A_2 : i32
    %add3A_62 = arith.constant 128 : i32
    %add3A_63 = arith.addi %add3A_61, %add3A_62 : i32
    %dma_start3A_64 = arith.constant 0 : i32
    %dma_start3A_65 = tpu.memref_slice %arg4[%add3A_63, %dma_start3A_64] : memref<16384x512xf32, #tpu.memory_space<hbm>> -> memref<64x512xf32, #tpu.memory_space<hbm>>
    %dma_start3A_66 = arith.constant 0 : i32
    %dma_start3A_67 = tpu.memref_slice %arg4[%add3A_63, %dma_start3A_66] : memref<16384x512xf32, #tpu.memory_space<hbm>> -> memref<64x512xf32, #tpu.memory_space<hbm>>
    tpu.enqueue_dma source(%arg7 : memref<64x512xf32, #tpu.memory_space<vmem>>) target(%dma_start3A_67 : memref<64x512xf32, #tpu.memory_space<hbm>>) target_semaphore(%arg11 : memref<!tpu.dma_semaphore, #tpu.memory_space<semaphore_mem>>)
    %dma_wait3A_68 = arith.constant 0 : i32
    %dma_wait3A_69 = tpu.memref_slice %arg4[%add3A_63, %dma_wait3A_68] : memref<16384x512xf32, #tpu.memory_space<hbm>> -> memref<64x512xf32, #tpu.memory_space<hbm>>
    %dma_wait3A_70 = arith.constant 0 : i32
    %dma_wait3A_71 = tpu.memref_slice %arg4[%add3A_63, %dma_wait3A_70] : memref<16384x512xf32, #tpu.memory_space<hbm>> -> memref<64x512xf32, #tpu.memory_space<hbm>>
    tpu.wait_dma2 semaphore(%arg11 : memref<!tpu.dma_semaphore, #tpu.memory_space<semaphore_mem>>) src(%arg7 : memref<64x512xf32, #tpu.memory_space<vmem>>) dst(%dma_wait3A_71 : memref<64x512xf32, #tpu.memory_space<hbm>>)
    %dma_start3A_72 = arith.constant 256 : i32
    %dma_start3A_73 = tpu.memref_slice %arg6[%dma_start3A_72] : memref<384xi32, #tpu.memory_space<vmem>> -> memref<64xi32, #tpu.memory_space<vmem>>
    %dma_start3A_74 = arith.constant 0 : i32
    %dma_start3A_75 = arith.constant 0 : i32
    %dma_start3A_76 = tpu.memref_slice %arg2[%dma_start3A_74, %dma_start3A_75] : memref<4096x512xf32, #tpu.memory_space<hbm>> -> memref<4096x512xf32, #tpu.memory_space<hbm>>
    tpu.enqueue_indirect_dma source(%dma_start3A_76 : memref<4096x512xf32, #tpu.memory_space<hbm>>) target(%arg7 : memref<64x512xf32, #tpu.memory_space<vmem>>) offsets(%dma_start3A_73 : memref<64xi32, #tpu.memory_space<vmem>>) semaphore(%arg9 : memref<!tpu.dma_semaphore, #tpu.memory_space<semaphore_mem>>)
    %dma_wait3A_77 = arith.constant 192 : i32
    %dma_wait3A_78 = tpu.memref_slice %arg6[%dma_wait3A_77] : memref<384xi32, #tpu.memory_space<vmem>> -> memref<64xi32, #tpu.memory_space<vmem>>
    %dma_wait3A_79 = arith.constant 0 : i32
    %dma_wait3A_80 = arith.constant 0 : i32
    %dma_wait3A_81 = tpu.memref_slice %arg2[%dma_wait3A_79, %dma_wait3A_80] : memref<4096x512xf32, #tpu.memory_space<hbm>> -> memref<4096x512xf32, #tpu.memory_space<hbm>>
    tpu.wait_indirect_dma semaphore(%arg10 : memref<!tpu.dma_semaphore, #tpu.memory_space<semaphore_mem>>) src(%dma_wait3A_81 : memref<4096x512xf32, #tpu.memory_space<hbm>>) dst(%arg8 : memref<64x512xf32, #tpu.memory_space<vmem>>)
    %add3A_82 = arith.constant 0 : i32
    %add3A_83 = arith.addi %add3A_82, %mul3A_2 : i32
    %add3A_84 = arith.constant 192 : i32
    %add3A_85 = arith.addi %add3A_83, %add3A_84 : i32
    %dma_start3A_86 = arith.constant 0 : i32
    %dma_start3A_87 = tpu.memref_slice %arg4[%add3A_85, %dma_start3A_86] : memref<16384x512xf32, #tpu.memory_space<hbm>> -> memref<64x512xf32, #tpu.memory_space<hbm>>
    %dma_start3A_88 = arith.constant 0 : i32
    %dma_start3A_89 = tpu.memref_slice %arg4[%add3A_85, %dma_start3A_88] : memref<16384x512xf32, #tpu.memory_space<hbm>> -> memref<64x512xf32, #tpu.memory_space<hbm>>
    tpu.enqueue_dma source(%arg8 : memref<64x512xf32, #tpu.memory_space<vmem>>) target(%dma_start3A_89 : memref<64x512xf32, #tpu.memory_space<hbm>>) target_semaphore(%arg12 : memref<!tpu.dma_semaphore, #tpu.memory_space<semaphore_mem>>)
    %dma_wait3A_90 = arith.constant 0 : i32
    %dma_wait3A_91 = tpu.memref_slice %arg4[%add3A_85, %dma_wait3A_90] : memref<16384x512xf32, #tpu.memory_space<hbm>> -> memref<64x512xf32, #tpu.memory_space<hbm>>
    %dma_wait3A_92 = arith.constant 0 : i32
    %dma_wait3A_93 = tpu.memref_slice %arg4[%add3A_85, %dma_wait3A_92] : memref<16384x512xf32, #tpu.memory_space<hbm>> -> memref<64x512xf32, #tpu.memory_space<hbm>>
    tpu.wait_dma2 semaphore(%arg12 : memref<!tpu.dma_semaphore, #tpu.memory_space<semaphore_mem>>) src(%arg8 : memref<64x512xf32, #tpu.memory_space<vmem>>) dst(%dma_wait3A_93 : memref<64x512xf32, #tpu.memory_space<hbm>>)
    %dma_start3A_94 = arith.constant 320 : i32
    %dma_start3A_95 = tpu.memref_slice %arg6[%dma_start3A_94] : memref<384xi32, #tpu.memory_space<vmem>> -> memref<64xi32, #tpu.memory_space<vmem>>
    %dma_start3A_96 = arith.constant 0 : i32
    %dma_start3A_97 = arith.constant 0 : i32
    %dma_start3A_98 = tpu.memref_slice %arg2[%dma_start3A_96, %dma_start3A_97] : memref<4096x512xf32, #tpu.memory_space<hbm>> -> memref<4096x512xf32, #tpu.memory_space<hbm>>
    tpu.enqueue_indirect_dma source(%dma_start3A_98 : memref<4096x512xf32, #tpu.memory_space<hbm>>) target(%arg8 : memref<64x512xf32, #tpu.memory_space<vmem>>) offsets(%dma_start3A_95 : memref<64xi32, #tpu.memory_space<vmem>>) semaphore(%arg10 : memref<!tpu.dma_semaphore, #tpu.memory_space<semaphore_mem>>)
    %dma_wait3A_99 = arith.constant 256 : i32
    %dma_wait3A_100 = tpu.memref_slice %arg6[%dma_wait3A_99] : memref<384xi32, #tpu.memory_space<vmem>> -> memref<64xi32, #tpu.memory_space<vmem>>
    %dma_wait3A_101 = arith.constant 0 : i32
    %dma_wait3A_102 = arith.constant 0 : i32
    %dma_wait3A_103 = tpu.memref_slice %arg2[%dma_wait3A_101, %dma_wait3A_102] : memref<4096x512xf32, #tpu.memory_space<hbm>> -> memref<4096x512xf32, #tpu.memory_space<hbm>>
    tpu.wait_indirect_dma semaphore(%arg9 : memref<!tpu.dma_semaphore, #tpu.memory_space<semaphore_mem>>) src(%dma_wait3A_103 : memref<4096x512xf32, #tpu.memory_space<hbm>>) dst(%arg7 : memref<64x512xf32, #tpu.memory_space<vmem>>)
    %add3A_104 = arith.constant 0 : i32
    %add3A_105 = arith.addi %add3A_104, %mul3A_2 : i32
    %add3A_106 = arith.constant 256 : i32
    %add3A_107 = arith.addi %add3A_105, %add3A_106 : i32
    %dma_start3A_108 = arith.constant 0 : i32
    %dma_start3A_109 = tpu.memref_slice %arg4[%add3A_107, %dma_start3A_108] : memref<16384x512xf32, #tpu.memory_space<hbm>> -> memref<64x512xf32, #tpu.memory_space<hbm>>
    %dma_start3A_110 = arith.constant 0 : i32
    %dma_start3A_111 = tpu.memref_slice %arg4[%add3A_107, %dma_start3A_110] : memref<16384x512xf32, #tpu.memory_space<hbm>> -> memref<64x512xf32, #tpu.memory_space<hbm>>
    tpu.enqueue_dma source(%arg7 : memref<64x512xf32, #tpu.memory_space<vmem>>) target(%dma_start3A_111 : memref<64x512xf32, #tpu.memory_space<hbm>>) target_semaphore(%arg11 : memref<!tpu.dma_semaphore, #tpu.memory_space<semaphore_mem>>)
    %dma_wait3A_112 = arith.constant 320 : i32
    %dma_wait3A_113 = tpu.memref_slice %arg6[%dma_wait3A_112] : memref<384xi32, #tpu.memory_space<vmem>> -> memref<64xi32, #tpu.memory_space<vmem>>
    %dma_wait3A_114 = arith.constant 0 : i32
    %dma_wait3A_115 = arith.constant 0 : i32
    %dma_wait3A_116 = tpu.memref_slice %arg2[%dma_wait3A_114, %dma_wait3A_115] : memref<4096x512xf32, #tpu.memory_space<hbm>> -> memref<4096x512xf32, #tpu.memory_space<hbm>>
    tpu.wait_indirect_dma semaphore(%arg10 : memref<!tpu.dma_semaphore, #tpu.memory_space<semaphore_mem>>) src(%dma_wait3A_116 : memref<4096x512xf32, #tpu.memory_space<hbm>>) dst(%arg8 : memref<64x512xf32, #tpu.memory_space<vmem>>)
    %add3A_117 = arith.constant 0 : i32
    %add3A_118 = arith.addi %add3A_117, %mul3A_2 : i32
    %add3A_119 = arith.constant 320 : i32
    %add3A_120 = arith.addi %add3A_118, %add3A_119 : i32
    %dma_start3A_121 = arith.constant 0 : i32
    %dma_start3A_122 = tpu.memref_slice %arg4[%add3A_120, %dma_start3A_121] : memref<16384x512xf32, #tpu.memory_space<hbm>> -> memref<64x512xf32, #tpu.memory_space<hbm>>
    %dma_start3A_123 = arith.constant 0 : i32
    %dma_start3A_124 = tpu.memref_slice %arg4[%add3A_120, %dma_start3A_123] : memref<16384x512xf32, #tpu.memory_space<hbm>> -> memref<64x512xf32, #tpu.memory_space<hbm>>
    tpu.enqueue_dma source(%arg8 : memref<64x512xf32, #tpu.memory_space<vmem>>) target(%dma_start3A_124 : memref<64x512xf32, #tpu.memory_space<hbm>>) target_semaphore(%arg12 : memref<!tpu.dma_semaphore, #tpu.memory_space<semaphore_mem>>)
    %dma_wait3A_125 = arith.constant 0 : i32
    %dma_wait3A_126 = tpu.memref_slice %arg4[%add3A_120, %dma_wait3A_125] : memref<16384x512xf32, #tpu.memory_space<hbm>> -> memref<64x512xf32, #tpu.memory_space<hbm>>
    %dma_wait3A_127 = arith.constant 0 : i32
    %dma_wait3A_128 = tpu.memref_slice %arg4[%add3A_120, %dma_wait3A_127] : memref<16384x512xf32, #tpu.memory_space<hbm>> -> memref<64x512xf32, #tpu.memory_space<hbm>>
    tpu.wait_dma2 semaphore(%arg12 : memref<!tpu.dma_semaphore, #tpu.memory_space<semaphore_mem>>) src(%arg8 : memref<64x512xf32, #tpu.memory_space<vmem>>) dst(%dma_wait3A_128 : memref<64x512xf32, #tpu.memory_space<hbm>>)
    %dma_wait3A_129 = arith.constant 0 : i32
    %dma_wait3A_130 = tpu.memref_slice %arg4[%add3A_107, %dma_wait3A_129] : memref<16384x512xf32, #tpu.memory_space<hbm>> -> memref<64x512xf32, #tpu.memory_space<hbm>>
    %dma_wait3A_131 = arith.constant 0 : i32
    %dma_wait3A_132 = tpu.memref_slice %arg4[%add3A_107, %dma_wait3A_131] : memref<16384x512xf32, #tpu.memory_space<hbm>> -> memref<64x512xf32, #tpu.memory_space<hbm>>
    tpu.wait_dma2 semaphore(%arg11 : memref<!tpu.dma_semaphore, #tpu.memory_space<semaphore_mem>>) src(%arg7 : memref<64x512xf32, #tpu.memory_space<vmem>>) dst(%dma_wait3A_132 : memref<64x512xf32, #tpu.memory_space<hbm>>)
    return
  }
}

#map = affine_map<(d0, d1) -> (0, 0)>
#map1 = affine_map<(d0, d1) -> (0)>
module attributes {stable_mosaic.version = 14 : i64} {
  func.func @new_body(%arg0: i32, %arg1: i32, %arg2: memref<4096x512xf32, #tpu.memory_space<hbm>>, %arg3: memref<4096xi32, #tpu.memory_space<hbm>>, %arg4: memref<16384x512xf32, #tpu.memory_space<hbm>>, %arg5: memref<16384x512xf32, #tpu.memory_space<hbm>>, %arg6: memref<128xi32, #tpu.memory_space<vmem>>, %arg7: memref<64x512xf32, #tpu.memory_space<vmem>>, %arg8: memref<64x512xf32, #tpu.memory_space<vmem>>, %arg9: memref<!tpu.dma_semaphore, #tpu.memory_space<semaphore_mem>>, %arg10: memref<!tpu.dma_semaphore, #tpu.memory_space<semaphore_mem>>, %arg11: memref<!tpu.dma_semaphore, #tpu.memory_space<semaphore_mem>>, %arg12: memref<!tpu.dma_semaphore, #tpu.memory_space<semaphore_mem>>) attributes {dimension_semantics = [#tpu.dimension_semantics<core_parallel>, #tpu.dimension_semantics<subcore_parallel>], iteration_bounds = array<i64: 2, 16>, scalar_prefetch = 0 : i64, scratch_operands = 7 : i64, tpu.core_type = #tpu.core_type<sc_vector_subcore>, window_params = [{transform_indices = #map}, {transform_indices = #map1}, {transform_indices = #map}, {transform_indices = #map}]} {
    %mul3A = arith.constant 2 : i32
    %mul3A_0 = arith.muli %arg1, %mul3A : i32
    %add3A = arith.addi %mul3A_0, %arg0 : i32
    %mul3A_1 = arith.constant 128 : i32
    %mul3A_2 = arith.muli %add3A, %mul3A_1 : i32
    "tpu.region"() ({
      %run_scoped3A = tpu.sem_alloc : memref<!tpu.dma_semaphore, #tpu.memory_space<semaphore_mem>>
      %dma_start3A_45 = tpu.memref_slice %arg3[%mul3A_2] : memref<4096xi32, #tpu.memory_space<hbm>> -> memref<128xi32, #tpu.memory_space<hbm>>
      %dma_start3A_46 = tpu.memref_slice %arg3[%mul3A_2] : memref<4096xi32, #tpu.memory_space<hbm>> -> memref<128xi32, #tpu.memory_space<hbm>>
      tpu.enqueue_dma source(%dma_start3A_46 : memref<128xi32, #tpu.memory_space<hbm>>) target(%arg6 : memref<128xi32, #tpu.memory_space<vmem>>) target_semaphore(%run_scoped3A : memref<!tpu.dma_semaphore, #tpu.memory_space<semaphore_mem>>)
      %dma_wait3A_47 = tpu.memref_slice %arg3[%mul3A_2] : memref<4096xi32, #tpu.memory_space<hbm>> -> memref<128xi32, #tpu.memory_space<hbm>>
      %dma_wait3A_48 = tpu.memref_slice %arg3[%mul3A_2] : memref<4096xi32, #tpu.memory_space<hbm>> -> memref<128xi32, #tpu.memory_space<hbm>>
      tpu.wait_dma2 semaphore(%run_scoped3A : memref<!tpu.dma_semaphore, #tpu.memory_space<semaphore_mem>>) src(%dma_wait3A_48 : memref<128xi32, #tpu.memory_space<hbm>>) dst(%arg6 : memref<128xi32, #tpu.memory_space<vmem>>)
      tpu.yield
    }) : () -> ()
    %dma_start3A = arith.constant 0 : i32
    %dma_start3A_3 = tpu.memref_slice %arg6[%dma_start3A] : memref<128xi32, #tpu.memory_space<vmem>> -> memref<64xi32, #tpu.memory_space<vmem>>
    %dma_start3A_4 = arith.constant 0 : i32
    %dma_start3A_5 = arith.constant 0 : i32
    %dma_start3A_6 = tpu.memref_slice %arg2[%dma_start3A_4, %dma_start3A_5] : memref<4096x512xf32, #tpu.memory_space<hbm>> -> memref<4096x512xf32, #tpu.memory_space<hbm>>
    tpu.enqueue_indirect_dma source(%dma_start3A_6 : memref<4096x512xf32, #tpu.memory_space<hbm>>) target(%arg7 : memref<64x512xf32, #tpu.memory_space<vmem>>) offsets(%dma_start3A_3 : memref<64xi32, #tpu.memory_space<vmem>>) semaphore(%arg9 : memref<!tpu.dma_semaphore, #tpu.memory_space<semaphore_mem>>)
    %dma_start3A_7 = arith.constant 64 : i32
    %dma_start3A_8 = tpu.memref_slice %arg6[%dma_start3A_7] : memref<128xi32, #tpu.memory_space<vmem>> -> memref<64xi32, #tpu.memory_space<vmem>>
    %dma_start3A_9 = arith.constant 0 : i32
    %dma_start3A_10 = arith.constant 0 : i32
    %dma_start3A_11 = tpu.memref_slice %arg2[%dma_start3A_9, %dma_start3A_10] : memref<4096x512xf32, #tpu.memory_space<hbm>> -> memref<4096x512xf32, #tpu.memory_space<hbm>>
    tpu.enqueue_indirect_dma source(%dma_start3A_11 : memref<4096x512xf32, #tpu.memory_space<hbm>>) target(%arg8 : memref<64x512xf32, #tpu.memory_space<vmem>>) offsets(%dma_start3A_8 : memref<64xi32, #tpu.memory_space<vmem>>) semaphore(%arg10 : memref<!tpu.dma_semaphore, #tpu.memory_space<semaphore_mem>>)
    %dma_wait3A = arith.constant 0 : i32
    %dma_wait3A_12 = tpu.memref_slice %arg6[%dma_wait3A] : memref<128xi32, #tpu.memory_space<vmem>> -> memref<64xi32, #tpu.memory_space<vmem>>
    %dma_wait3A_13 = arith.constant 0 : i32
    %dma_wait3A_14 = arith.constant 0 : i32
    %dma_wait3A_15 = tpu.memref_slice %arg2[%dma_wait3A_13, %dma_wait3A_14] : memref<4096x512xf32, #tpu.memory_space<hbm>> -> memref<4096x512xf32, #tpu.memory_space<hbm>>
    tpu.wait_indirect_dma semaphore(%arg9 : memref<!tpu.dma_semaphore, #tpu.memory_space<semaphore_mem>>) src(%dma_wait3A_15 : memref<4096x512xf32, #tpu.memory_space<hbm>>) dst(%arg7 : memref<64x512xf32, #tpu.memory_space<vmem>>)
    %add3A_16 = arith.constant 12288 : i32
    %add3A_17 = arith.addi %add3A_16, %mul3A_2 : i32
    %add3A_18 = arith.constant 0 : i32
    %add3A_19 = arith.addi %add3A_17, %add3A_18 : i32
    %dma_start3A_20 = arith.constant 0 : i32
    %dma_start3A_21 = tpu.memref_slice %arg4[%add3A_19, %dma_start3A_20] : memref<16384x512xf32, #tpu.memory_space<hbm>> -> memref<64x512xf32, #tpu.memory_space<hbm>>
    %dma_start3A_22 = arith.constant 0 : i32
    %dma_start3A_23 = tpu.memref_slice %arg4[%add3A_19, %dma_start3A_22] : memref<16384x512xf32, #tpu.memory_space<hbm>> -> memref<64x512xf32, #tpu.memory_space<hbm>>
    tpu.enqueue_dma source(%arg7 : memref<64x512xf32, #tpu.memory_space<vmem>>) target(%dma_start3A_23 : memref<64x512xf32, #tpu.memory_space<hbm>>) target_semaphore(%arg11 : memref<!tpu.dma_semaphore, #tpu.memory_space<semaphore_mem>>)
    %dma_wait3A_24 = arith.constant 64 : i32
    %dma_wait3A_25 = tpu.memref_slice %arg6[%dma_wait3A_24] : memref<128xi32, #tpu.memory_space<vmem>> -> memref<64xi32, #tpu.memory_space<vmem>>
    %dma_wait3A_26 = arith.constant 0 : i32
    %dma_wait3A_27 = arith.constant 0 : i32
    %dma_wait3A_28 = tpu.memref_slice %arg2[%dma_wait3A_26, %dma_wait3A_27] : memref<4096x512xf32, #tpu.memory_space<hbm>> -> memref<4096x512xf32, #tpu.memory_space<hbm>>
    tpu.wait_indirect_dma semaphore(%arg10 : memref<!tpu.dma_semaphore, #tpu.memory_space<semaphore_mem>>) src(%dma_wait3A_28 : memref<4096x512xf32, #tpu.memory_space<hbm>>) dst(%arg8 : memref<64x512xf32, #tpu.memory_space<vmem>>)
    %add3A_29 = arith.constant 12288 : i32
    %add3A_30 = arith.addi %add3A_29, %mul3A_2 : i32
    %add3A_31 = arith.constant 64 : i32
    %add3A_32 = arith.addi %add3A_30, %add3A_31 : i32
    %dma_start3A_33 = arith.constant 0 : i32
    %dma_start3A_34 = tpu.memref_slice %arg4[%add3A_32, %dma_start3A_33] : memref<16384x512xf32, #tpu.memory_space<hbm>> -> memref<64x512xf32, #tpu.memory_space<hbm>>
    %dma_start3A_35 = arith.constant 0 : i32
    %dma_start3A_36 = tpu.memref_slice %arg4[%add3A_32, %dma_start3A_35] : memref<16384x512xf32, #tpu.memory_space<hbm>> -> memref<64x512xf32, #tpu.memory_space<hbm>>
    tpu.enqueue_dma source(%arg8 : memref<64x512xf32, #tpu.memory_space<vmem>>) target(%dma_start3A_36 : memref<64x512xf32, #tpu.memory_space<hbm>>) target_semaphore(%arg12 : memref<!tpu.dma_semaphore, #tpu.memory_space<semaphore_mem>>)
    %dma_wait3A_37 = arith.constant 0 : i32
    %dma_wait3A_38 = tpu.memref_slice %arg4[%add3A_32, %dma_wait3A_37] : memref<16384x512xf32, #tpu.memory_space<hbm>> -> memref<64x512xf32, #tpu.memory_space<hbm>>
    %dma_wait3A_39 = arith.constant 0 : i32
    %dma_wait3A_40 = tpu.memref_slice %arg4[%add3A_32, %dma_wait3A_39] : memref<16384x512xf32, #tpu.memory_space<hbm>> -> memref<64x512xf32, #tpu.memory_space<hbm>>
    tpu.wait_dma2 semaphore(%arg12 : memref<!tpu.dma_semaphore, #tpu.memory_space<semaphore_mem>>) src(%arg8 : memref<64x512xf32, #tpu.memory_space<vmem>>) dst(%dma_wait3A_40 : memref<64x512xf32, #tpu.memory_space<hbm>>)
    %dma_wait3A_41 = arith.constant 0 : i32
    %dma_wait3A_42 = tpu.memref_slice %arg4[%add3A_19, %dma_wait3A_41] : memref<16384x512xf32, #tpu.memory_space<hbm>> -> memref<64x512xf32, #tpu.memory_space<hbm>>
    %dma_wait3A_43 = arith.constant 0 : i32
    %dma_wait3A_44 = tpu.memref_slice %arg4[%add3A_19, %dma_wait3A_43] : memref<16384x512xf32, #tpu.memory_space<hbm>> -> memref<64x512xf32, #tpu.memory_space<hbm>>
    tpu.wait_dma2 semaphore(%arg11 : memref<!tpu.dma_semaphore, #tpu.memory_space<semaphore_mem>>) src(%arg7 : memref<64x512xf32, #tpu.memory_space<vmem>>) dst(%dma_wait3A_44 : memref<64x512xf32, #tpu.memory_space<hbm>>)
    return
  }
}

module attributes {stable_mosaic.version = 14 : i64} {
  func.func @_vq_dist_body(%arg0: i32, %arg1: memref<512x512xf32, #tpu.memory_space<vmem>>, %arg2: memref<4096x512xf32, #tpu.memory_space<vmem>>, %arg3: memref<1x1x512xf32, #tpu.memory_space<vmem>>, %arg4: memref<4096xf32, #tpu.memory_space<vmem>>, %arg5: memref<512xi32, #tpu.memory_space<vmem>>, %arg6: memref<1x1xf32, #tpu.memory_space<smem>>, %arg7: memref<4096x512xf32, #tpu.memory_space<vmem>>) attributes {dimension_semantics = [#tpu.dimension_semantics<arbitrary>], iteration_bounds = array<i64: 24>, scalar_prefetch = 0 : i64, scratch_operands = 1 : i64, tpu.core_type = #tpu.core_type<tc>, window_params = [{transform_indices = @transform_0, window_bounds = array<i64: 512, 512>}, {pipeline_mode = #tpu.pipeline_mode<synchronous>, transform_indices = @transform_1, window_bounds = array<i64: 4096, 512>}, {transform_indices = @transform_2, window_bounds = array<i64: 1, 1, 512>}, {pipeline_mode = #tpu.pipeline_mode<synchronous>, transform_indices = @transform_3, window_bounds = array<i64: 4096>}, {transform_indices = @transform_4, window_bounds = array<i64: 512>}, {transform_indices = @transform_5, window_bounds = array<i64: 1, 1>}]} {
    %eq3A = arith.constant 0 : i32
    %eq3A_0 = arith.cmpi eq, %arg0, %eq3A : i32
    %convert_element_type3A = arith.extui %eq3A_0 : i1 to i32
    %cond3A = arith.constant 0 : i32
    %cond3A_1 = arith.cmpi ne, %convert_element_type3A, %cond3A : i32
    scf.if %cond3A_1 {
      %get3A_450 = arith.constant 0 : index
      %get3A_451 = arith.constant 0 : index
      %get3A_452 = vector.load %arg2[%get3A_450, %get3A_451] : memref<4096x512xf32, #tpu.memory_space<vmem>>, vector<4096x512xf32>
      %add3A_453 = arith.addf %get3A_452, %get3A_452 : vector<4096x512xf32>
      %swap3A_454 = arith.constant 0 : index
      %swap3A_455 = arith.constant 0 : index
      %swap3A_456 = vector.load %arg7[%swap3A_454, %swap3A_455] : memref<4096x512xf32, #tpu.memory_space<vmem>>, vector<4096x512xf32>
      tpu.vector_store %arg7[%swap3A_454, %swap3A_455], %add3A_453 {strides = array<i32>} : memref<4096x512xf32, #tpu.memory_space<vmem>>, vector<4096x512xf32>,
    } else {
    }
    %get3A = arith.constant 0 : index
    %get3A_2 = arith.constant 0 : index
    %get3A_3 = vector.load %arg1[%get3A, %get3A_2] : memref<512x512xf32, #tpu.memory_space<vmem>>, vector<512x512xf32>
    %get3A_4 = arith.constant 0 : index
    %get3A_5 = arith.constant 0 : index
    %get3A_6 = vector.load %arg7[%get3A_4, %get3A_5] : memref<4096x512xf32, #tpu.memory_space<vmem>>, vector<4096x512xf32>
    %get3A_7 = arith.constant 0 : index
    %get3A_8 = arith.constant 0 : index
    %get3A_9 = arith.constant 0 : index
    %get3A_10 = vector.load %arg3[%get3A_7, %get3A_8, %get3A_9] : memref<1x1x512xf32, #tpu.memory_space<vmem>>, vector<1x1x512xf32>
    %get3A_11 = vector.shape_cast %get3A_10 : vector<1x1x512xf32> to vector<512xf32>
    %broadcast_in_dim3A = vector.shape_cast %get3A_11 : vector<512xf32> to vector<512x1xf32>
    %dot_general3A = arith.constant dense<0.000000e+00> : vector<512x4096xf32>
    %dot_general3A_12 = tpu.matmul %get3A_3, %get3A_6, %dot_general3A {dimension_numbers = #tpu.dot_dimension_numbers<[1], [1], [0], [0], [0, 0, 1, 0], [], []>, transpose_lhs_hint = false} : vector<512x512xf32>, vector<4096x512xf32>, vector<512x4096xf32> -> vector<512x4096xf32>
    %get3A_13 = arith.constant 0 : index
    %get3A_14 = vector.load %arg4[%get3A_13] : memref<4096xf32, #tpu.memory_space<vmem>>, vector<128xf32>
    %broadcast_in_dim3A_15 = vector.shape_cast %get3A_14 : vector<128xf32> to vector<1x128xf32>
    %add3A = vector.broadcast %broadcast_in_dim3A : vector<512x1xf32> to vector<512x128xf32>
    %add3A_16 = vector.broadcast %broadcast_in_dim3A_15 : vector<1x128xf32> to vector<512x128xf32>
    %add3A_17 = arith.addf %add3A, %add3A_16 : vector<512x128xf32>
    %slice3A = vector.extract_strided_slice %dot_general3A_12 {offsets = [0, 0], sizes = [512, 128], strides = [1, 1]} : vector<512x4096xf32> to vector<512x128xf32>
    %sub3A = arith.subf %add3A_17, %slice3A : vector<512x128xf32>
    %broadcast_in_dim3A_18 = arith.constant 0.000000e+00 : f32
    %broadcast_in_dim3A_19 = vector.broadcast %broadcast_in_dim3A_18 : f32 to vector<512x128xf32>
    %get3A_20 = arith.constant 128 : index
    %get3A_21 = vector.load %arg4[%get3A_20] : memref<4096xf32, #tpu.memory_space<vmem>>, vector<128xf32>
    %broadcast_in_dim3A_22 = vector.shape_cast %get3A_21 : vector<128xf32> to vector<1x128xf32>
    %add3A_23 = vector.broadcast %broadcast_in_dim3A : vector<512x1xf32> to vector<512x128xf32>
    %add3A_24 = vector.broadcast %broadcast_in_dim3A_22 : vector<1x128xf32> to vector<512x128xf32>
    %add3A_25 = arith.addf %add3A_23, %add3A_24 : vector<512x128xf32>
    %slice3A_26 = vector.extract_strided_slice %dot_general3A_12 {offsets = [0, 128], sizes = [512, 128], strides = [1, 1]} : vector<512x4096xf32> to vector<512x128xf32>
    %sub3A_27 = arith.subf %add3A_25, %slice3A_26 : vector<512x128xf32>
    %lt3A = arith.cmpf olt, %sub3A_27, %sub3A : vector<512x128xf32>
    %min3A = arith.minimumf %sub3A, %sub3A_27 : vector<512x128xf32>
    %jit3A = arith.constant 1.000000e+00 : f32
    %broadcast_in_dim3A_28 = vector.broadcast %jit3A : f32 to vector<512x128xf32>
    %select_n3A = arith.select %lt3A, %broadcast_in_dim3A_28, %broadcast_in_dim3A_19 : vector<512x128xi1>, vector<512x128xf32>
    %get3A_29 = arith.constant 256 : index
    %get3A_30 = vector.load %arg4[%get3A_29] : memref<4096xf32, #tpu.memory_space<vmem>>, vector<128xf32>
    %broadcast_in_dim3A_31 = vector.shape_cast %get3A_30 : vector<128xf32> to vector<1x128xf32>
    %add3A_32 = vector.broadcast %broadcast_in_dim3A : vector<512x1xf32> to vector<512x128xf32>
    %add3A_33 = vector.broadcast %broadcast_in_dim3A_31 : vector<1x128xf32> to vector<512x128xf32>
    %add3A_34 = arith.addf %add3A_32, %add3A_33 : vector<512x128xf32>
    %slice3A_35 = vector.extract_strided_slice %dot_general3A_12 {offsets = [0, 256], sizes = [512, 128], strides = [1, 1]} : vector<512x4096xf32> to vector<512x128xf32>
    %sub3A_36 = arith.subf %add3A_34, %slice3A_35 : vector<512x128xf32>
    %lt3A_37 = arith.cmpf olt, %sub3A_36, %min3A : vector<512x128xf32>
    %min3A_38 = arith.minimumf %min3A, %sub3A_36 : vector<512x128xf32>
    %jit3A_39 = arith.constant 2.000000e+00 : f32
    %broadcast_in_dim3A_40 = vector.broadcast %jit3A_39 : f32 to vector<512x128xf32>
    %select_n3A_41 = arith.select %lt3A_37, %broadcast_in_dim3A_40, %select_n3A : vector<512x128xi1>, vector<512x128xf32>
    %get3A_42 = arith.constant 384 : index
    %get3A_43 = vector.load %arg4[%get3A_42] : memref<4096xf32, #tpu.memory_space<vmem>>, vector<128xf32>
    %broadcast_in_dim3A_44 = vector.shape_cast %get3A_43 : vector<128xf32> to vector<1x128xf32>
    %add3A_45 = vector.broadcast %broadcast_in_dim3A : vector<512x1xf32> to vector<512x128xf32>
    %add3A_46 = vector.broadcast %broadcast_in_dim3A_44 : vector<1x128xf32> to vector<512x128xf32>
    %add3A_47 = arith.addf %add3A_45, %add3A_46 : vector<512x128xf32>
    %slice3A_48 = vector.extract_strided_slice %dot_general3A_12 {offsets = [0, 384], sizes = [512, 128], strides = [1, 1]} : vector<512x4096xf32> to vector<512x128xf32>
    %sub3A_49 = arith.subf %add3A_47, %slice3A_48 : vector<512x128xf32>
    %lt3A_50 = arith.cmpf olt, %sub3A_49, %min3A_38 : vector<512x128xf32>
    %min3A_51 = arith.minimumf %min3A_38, %sub3A_49 : vector<512x128xf32>
    %jit3A_52 = arith.constant 3.000000e+00 : f32
    %broadcast_in_dim3A_53 = vector.broadcast %jit3A_52 : f32 to vector<512x128xf32>
    %select_n3A_54 = arith.select %lt3A_50, %broadcast_in_dim3A_53, %select_n3A_41 : vector<512x128xi1>, vector<512x128xf32>
    %get3A_55 = arith.constant 512 : index
    %get3A_56 = vector.load %arg4[%get3A_55] : memref<4096xf32, #tpu.memory_space<vmem>>, vector<128xf32>
    %broadcast_in_dim3A_57 = vector.shape_cast %get3A_56 : vector<128xf32> to vector<1x128xf32>
    %add3A_58 = vector.broadcast %broadcast_in_dim3A : vector<512x1xf32> to vector<512x128xf32>
    %add3A_59 = vector.broadcast %broadcast_in_dim3A_57 : vector<1x128xf32> to vector<512x128xf32>
    %add3A_60 = arith.addf %add3A_58, %add3A_59 : vector<512x128xf32>
    %slice3A_61 = vector.extract_strided_slice %dot_general3A_12 {offsets = [0, 512], sizes = [512, 128], strides = [1, 1]} : vector<512x4096xf32> to vector<512x128xf32>
    %sub3A_62 = arith.subf %add3A_60, %slice3A_61 : vector<512x128xf32>
    %lt3A_63 = arith.cmpf olt, %sub3A_62, %min3A_51 : vector<512x128xf32>
    %min3A_64 = arith.minimumf %min3A_51, %sub3A_62 : vector<512x128xf32>
    %jit3A_65 = arith.constant 4.000000e+00 : f32
    %broadcast_in_dim3A_66 = vector.broadcast %jit3A_65 : f32 to vector<512x128xf32>
    %select_n3A_67 = arith.select %lt3A_63, %broadcast_in_dim3A_66, %select_n3A_54 : vector<512x128xi1>, vector<512x128xf32>
    %get3A_68 = arith.constant 640 : index
    %get3A_69 = vector.load %arg4[%get3A_68] : memref<4096xf32, #tpu.memory_space<vmem>>, vector<128xf32>
    %broadcast_in_dim3A_70 = vector.shape_cast %get3A_69 : vector<128xf32> to vector<1x128xf32>
    %add3A_71 = vector.broadcast %broadcast_in_dim3A : vector<512x1xf32> to vector<512x128xf32>
    %add3A_72 = vector.broadcast %broadcast_in_dim3A_70 : vector<1x128xf32> to vector<512x128xf32>
    %add3A_73 = arith.addf %add3A_71, %add3A_72 : vector<512x128xf32>
    %slice3A_74 = vector.extract_strided_slice %dot_general3A_12 {offsets = [0, 640], sizes = [512, 128], strides = [1, 1]} : vector<512x4096xf32> to vector<512x128xf32>
    %sub3A_75 = arith.subf %add3A_73, %slice3A_74 : vector<512x128xf32>
    %lt3A_76 = arith.cmpf olt, %sub3A_75, %min3A_64 : vector<512x128xf32>
    %min3A_77 = arith.minimumf %min3A_64, %sub3A_75 : vector<512x128xf32>
    %jit3A_78 = arith.constant 5.000000e+00 : f32
    %broadcast_in_dim3A_79 = vector.broadcast %jit3A_78 : f32 to vector<512x128xf32>
    %select_n3A_80 = arith.select %lt3A_76, %broadcast_in_dim3A_79, %select_n3A_67 : vector<512x128xi1>, vector<512x128xf32>
    %get3A_81 = arith.constant 768 : index
    %get3A_82 = vector.load %arg4[%get3A_81] : memref<4096xf32, #tpu.memory_space<vmem>>, vector<128xf32>
    %broadcast_in_dim3A_83 = vector.shape_cast %get3A_82 : vector<128xf32> to vector<1x128xf32>
    %add3A_84 = vector.broadcast %broadcast_in_dim3A : vector<512x1xf32> to vector<512x128xf32>
    %add3A_85 = vector.broadcast %broadcast_in_dim3A_83 : vector<1x128xf32> to vector<512x128xf32>
    %add3A_86 = arith.addf %add3A_84, %add3A_85 : vector<512x128xf32>
    %slice3A_87 = vector.extract_strided_slice %dot_general3A_12 {offsets = [0, 768], sizes = [512, 128], strides = [1, 1]} : vector<512x4096xf32> to vector<512x128xf32>
    %sub3A_88 = arith.subf %add3A_86, %slice3A_87 : vector<512x128xf32>
    %lt3A_89 = arith.cmpf olt, %sub3A_88, %min3A_77 : vector<512x128xf32>
    %min3A_90 = arith.minimumf %min3A_77, %sub3A_88 : vector<512x128xf32>
    %jit3A_91 = arith.constant 6.000000e+00 : f32
    %broadcast_in_dim3A_92 = vector.broadcast %jit3A_91 : f32 to vector<512x128xf32>
    %select_n3A_93 = arith.select %lt3A_89, %broadcast_in_dim3A_92, %select_n3A_80 : vector<512x128xi1>, vector<512x128xf32>
    %get3A_94 = arith.constant 896 : index
    %get3A_95 = vector.load %arg4[%get3A_94] : memref<4096xf32, #tpu.memory_space<vmem>>, vector<128xf32>
    %broadcast_in_dim3A_96 = vector.shape_cast %get3A_95 : vector<128xf32> to vector<1x128xf32>
    %add3A_97 = vector.broadcast %broadcast_in_dim3A : vector<512x1xf32> to vector<512x128xf32>
    %add3A_98 = vector.broadcast %broadcast_in_dim3A_96 : vector<1x128xf32> to vector<512x128xf32>
    %add3A_99 = arith.addf %add3A_97, %add3A_98 : vector<512x128xf32>
    %slice3A_100 = vector.extract_strided_slice %dot_general3A_12 {offsets = [0, 896], sizes = [512, 128], strides = [1, 1]} : vector<512x4096xf32> to vector<512x128xf32>
    %sub3A_101 = arith.subf %add3A_99, %slice3A_100 : vector<512x128xf32>
    %lt3A_102 = arith.cmpf olt, %sub3A_101, %min3A_90 : vector<512x128xf32>
    %min3A_103 = arith.minimumf %min3A_90, %sub3A_101 : vector<512x128xf32>
    %jit3A_104 = arith.constant 7.000000e+00 : f32
    %broadcast_in_dim3A_105 = vector.broadcast %jit3A_104 : f32 to vector<512x128xf32>
    %select_n3A_106 = arith.select %lt3A_102, %broadcast_in_dim3A_105, %select_n3A_93 : vector<512x128xi1>, vector<512x128xf32>
    %get3A_107 = arith.constant 1024 : index
    %get3A_108 = vector.load %arg4[%get3A_107] : memref<4096xf32, #tpu.memory_space<vmem>>, vector<128xf32>
    %broadcast_in_dim3A_109 = vector.shape_cast %get3A_108 : vector<128xf32> to vector<1x128xf32>
    %add3A_110 = vector.broadcast %broadcast_in_dim3A : vector<512x1xf32> to vector<512x128xf32>
    %add3A_111 = vector.broadcast %broadcast_in_dim3A_109 : vector<1x128xf32> to vector<512x128xf32>
    %add3A_112 = arith.addf %add3A_110, %add3A_111 : vector<512x128xf32>
    %slice3A_113 = vector.extract_strided_slice %dot_general3A_12 {offsets = [0, 1024], sizes = [512, 128], strides = [1, 1]} : vector<512x4096xf32> to vector<512x128xf32>
    %sub3A_114 = arith.subf %add3A_112, %slice3A_113 : vector<512x128xf32>
    %lt3A_115 = arith.cmpf olt, %sub3A_114, %min3A_103 : vector<512x128xf32>
    %min3A_116 = arith.minimumf %min3A_103, %sub3A_114 : vector<512x128xf32>
    %jit3A_117 = arith.constant 8.000000e+00 : f32
    %broadcast_in_dim3A_118 = vector.broadcast %jit3A_117 : f32 to vector<512x128xf32>
    %select_n3A_119 = arith.select %lt3A_115, %broadcast_in_dim3A_118, %select_n3A_106 : vector<512x128xi1>, vector<512x128xf32>
    %get3A_120 = arith.constant 1152 : index
    %get3A_121 = vector.load %arg4[%get3A_120] : memref<4096xf32, #tpu.memory_space<vmem>>, vector<128xf32>
    %broadcast_in_dim3A_122 = vector.shape_cast %get3A_121 : vector<128xf32> to vector<1x128xf32>
    %add3A_123 = vector.broadcast %broadcast_in_dim3A : vector<512x1xf32> to vector<512x128xf32>
    %add3A_124 = vector.broadcast %broadcast_in_dim3A_122 : vector<1x128xf32> to vector<512x128xf32>
    %add3A_125 = arith.addf %add3A_123, %add3A_124 : vector<512x128xf32>
    %slice3A_126 = vector.extract_strided_slice %dot_general3A_12 {offsets = [0, 1152], sizes = [512, 128], strides = [1, 1]} : vector<512x4096xf32> to vector<512x128xf32>
    %sub3A_127 = arith.subf %add3A_125, %slice3A_126 : vector<512x128xf32>
    %lt3A_128 = arith.cmpf olt, %sub3A_127, %min3A_116 : vector<512x128xf32>
    %min3A_129 = arith.minimumf %min3A_116, %sub3A_127 : vector<512x128xf32>
    %jit3A_130 = arith.constant 9.000000e+00 : f32
    %broadcast_in_dim3A_131 = vector.broadcast %jit3A_130 : f32 to vector<512x128xf32>
    %select_n3A_132 = arith.select %lt3A_128, %broadcast_in_dim3A_131, %select_n3A_119 : vector<512x128xi1>, vector<512x128xf32>
    %get3A_133 = arith.constant 1280 : index
    %get3A_134 = vector.load %arg4[%get3A_133] : memref<4096xf32, #tpu.memory_space<vmem>>, vector<128xf32>
    %broadcast_in_dim3A_135 = vector.shape_cast %get3A_134 : vector<128xf32> to vector<1x128xf32>
    %add3A_136 = vector.broadcast %broadcast_in_dim3A : vector<512x1xf32> to vector<512x128xf32>
    %add3A_137 = vector.broadcast %broadcast_in_dim3A_135 : vector<1x128xf32> to vector<512x128xf32>
    %add3A_138 = arith.addf %add3A_136, %add3A_137 : vector<512x128xf32>
    %slice3A_139 = vector.extract_strided_slice %dot_general3A_12 {offsets = [0, 1280], sizes = [512, 128], strides = [1, 1]} : vector<512x4096xf32> to vector<512x128xf32>
    %sub3A_140 = arith.subf %add3A_138, %slice3A_139 : vector<512x128xf32>
    %lt3A_141 = arith.cmpf olt, %sub3A_140, %min3A_129 : vector<512x128xf32>
    %min3A_142 = arith.minimumf %min3A_129, %sub3A_140 : vector<512x128xf32>
    %jit3A_143 = arith.constant 1.000000e+01 : f32
    %broadcast_in_dim3A_144 = vector.broadcast %jit3A_143 : f32 to vector<512x128xf32>
    %select_n3A_145 = arith.select %lt3A_141, %broadcast_in_dim3A_144, %select_n3A_132 : vector<512x128xi1>, vector<512x128xf32>
    %get3A_146 = arith.constant 1408 : index
    %get3A_147 = vector.load %arg4[%get3A_146] : memref<4096xf32, #tpu.memory_space<vmem>>, vector<128xf32>
    %broadcast_in_dim3A_148 = vector.shape_cast %get3A_147 : vector<128xf32> to vector<1x128xf32>
    %add3A_149 = vector.broadcast %broadcast_in_dim3A : vector<512x1xf32> to vector<512x128xf32>
    %add3A_150 = vector.broadcast %broadcast_in_dim3A_148 : vector<1x128xf32> to vector<512x128xf32>
    %add3A_151 = arith.addf %add3A_149, %add3A_150 : vector<512x128xf32>
    %slice3A_152 = vector.extract_strided_slice %dot_general3A_12 {offsets = [0, 1408], sizes = [512, 128], strides = [1, 1]} : vector<512x4096xf32> to vector<512x128xf32>
    %sub3A_153 = arith.subf %add3A_151, %slice3A_152 : vector<512x128xf32>
    %lt3A_154 = arith.cmpf olt, %sub3A_153, %min3A_142 : vector<512x128xf32>
    %min3A_155 = arith.minimumf %min3A_142, %sub3A_153 : vector<512x128xf32>
    %jit3A_156 = arith.constant 1.100000e+01 : f32
    %broadcast_in_dim3A_157 = vector.broadcast %jit3A_156 : f32 to vector<512x128xf32>
    %select_n3A_158 = arith.select %lt3A_154, %broadcast_in_dim3A_157, %select_n3A_145 : vector<512x128xi1>, vector<512x128xf32>
    %get3A_159 = arith.constant 1536 : index
    %get3A_160 = vector.load %arg4[%get3A_159] : memref<4096xf32, #tpu.memory_space<vmem>>, vector<128xf32>
    %broadcast_in_dim3A_161 = vector.shape_cast %get3A_160 : vector<128xf32> to vector<1x128xf32>
    %add3A_162 = vector.broadcast %broadcast_in_dim3A : vector<512x1xf32> to vector<512x128xf32>
    %add3A_163 = vector.broadcast %broadcast_in_dim3A_161 : vector<1x128xf32> to vector<512x128xf32>
    %add3A_164 = arith.addf %add3A_162, %add3A_163 : vector<512x128xf32>
    %slice3A_165 = vector.extract_strided_slice %dot_general3A_12 {offsets = [0, 1536], sizes = [512, 128], strides = [1, 1]} : vector<512x4096xf32> to vector<512x128xf32>
    %sub3A_166 = arith.subf %add3A_164, %slice3A_165 : vector<512x128xf32>
    %lt3A_167 = arith.cmpf olt, %sub3A_166, %min3A_155 : vector<512x128xf32>
    %min3A_168 = arith.minimumf %min3A_155, %sub3A_166 : vector<512x128xf32>
    %jit3A_169 = arith.constant 1.200000e+01 : f32
    %broadcast_in_dim3A_170 = vector.broadcast %jit3A_169 : f32 to vector<512x128xf32>
    %select_n3A_171 = arith.select %lt3A_167, %broadcast_in_dim3A_170, %select_n3A_158 : vector<512x128xi1>, vector<512x128xf32>
    %get3A_172 = arith.constant 1664 : index
    %get3A_173 = vector.load %arg4[%get3A_172] : memref<4096xf32, #tpu.memory_space<vmem>>, vector<128xf32>
    %broadcast_in_dim3A_174 = vector.shape_cast %get3A_173 : vector<128xf32> to vector<1x128xf32>
    %add3A_175 = vector.broadcast %broadcast_in_dim3A : vector<512x1xf32> to vector<512x128xf32>
    %add3A_176 = vector.broadcast %broadcast_in_dim3A_174 : vector<1x128xf32> to vector<512x128xf32>
    %add3A_177 = arith.addf %add3A_175, %add3A_176 : vector<512x128xf32>
    %slice3A_178 = vector.extract_strided_slice %dot_general3A_12 {offsets = [0, 1664], sizes = [512, 128], strides = [1, 1]} : vector<512x4096xf32> to vector<512x128xf32>
    %sub3A_179 = arith.subf %add3A_177, %slice3A_178 : vector<512x128xf32>
    %lt3A_180 = arith.cmpf olt, %sub3A_179, %min3A_168 : vector<512x128xf32>
    %min3A_181 = arith.minimumf %min3A_168, %sub3A_179 : vector<512x128xf32>
    %jit3A_182 = arith.constant 1.300000e+01 : f32
    %broadcast_in_dim3A_183 = vector.broadcast %jit3A_182 : f32 to vector<512x128xf32>
    %select_n3A_184 = arith.select %lt3A_180, %broadcast_in_dim3A_183, %select_n3A_171 : vector<512x128xi1>, vector<512x128xf32>
    %get3A_185 = arith.constant 1792 : index
    %get3A_186 = vector.load %arg4[%get3A_185] : memref<4096xf32, #tpu.memory_space<vmem>>, vector<128xf32>
    %broadcast_in_dim3A_187 = vector.shape_cast %get3A_186 : vector<128xf32> to vector<1x128xf32>
    %add3A_188 = vector.broadcast %broadcast_in_dim3A : vector<512x1xf32> to vector<512x128xf32>
    %add3A_189 = vector.broadcast %broadcast_in_dim3A_187 : vector<1x128xf32> to vector<512x128xf32>
    %add3A_190 = arith.addf %add3A_188, %add3A_189 : vector<512x128xf32>
    %slice3A_191 = vector.extract_strided_slice %dot_general3A_12 {offsets = [0, 1792], sizes = [512, 128], strides = [1, 1]} : vector<512x4096xf32> to vector<512x128xf32>
    %sub3A_192 = arith.subf %add3A_190, %slice3A_191 : vector<512x128xf32>
    %lt3A_193 = arith.cmpf olt, %sub3A_192, %min3A_181 : vector<512x128xf32>
    %min3A_194 = arith.minimumf %min3A_181, %sub3A_192 : vector<512x128xf32>
    %jit3A_195 = arith.constant 1.400000e+01 : f32
    %broadcast_in_dim3A_196 = vector.broadcast %jit3A_195 : f32 to vector<512x128xf32>
    %select_n3A_197 = arith.select %lt3A_193, %broadcast_in_dim3A_196, %select_n3A_184 : vector<512x128xi1>, vector<512x128xf32>
    %get3A_198 = arith.constant 1920 : index
    %get3A_199 = vector.load %arg4[%get3A_198] : memref<4096xf32, #tpu.memory_space<vmem>>, vector<128xf32>
    %broadcast_in_dim3A_200 = vector.shape_cast %get3A_199 : vector<128xf32> to vector<1x128xf32>
    %add3A_201 = vector.broadcast %broadcast_in_dim3A : vector<512x1xf32> to vector<512x128xf32>
    %add3A_202 = vector.broadcast %broadcast_in_dim3A_200 : vector<1x128xf32> to vector<512x128xf32>
    %add3A_203 = arith.addf %add3A_201, %add3A_202 : vector<512x128xf32>
    %slice3A_204 = vector.extract_strided_slice %dot_general3A_12 {offsets = [0, 1920], sizes = [512, 128], strides = [1, 1]} : vector<512x4096xf32> to vector<512x128xf32>
    %sub3A_205 = arith.subf %add3A_203, %slice3A_204 : vector<512x128xf32>
    %lt3A_206 = arith.cmpf olt, %sub3A_205, %min3A_194 : vector<512x128xf32>
    %min3A_207 = arith.minimumf %min3A_194, %sub3A_205 : vector<512x128xf32>
    %jit3A_208 = arith.constant 1.500000e+01 : f32
    %broadcast_in_dim3A_209 = vector.broadcast %jit3A_208 : f32 to vector<512x128xf32>
    %select_n3A_210 = arith.select %lt3A_206, %broadcast_in_dim3A_209, %select_n3A_197 : vector<512x128xi1>, vector<512x128xf32>
    %get3A_211 = arith.constant 2048 : index
    %get3A_212 = vector.load %arg4[%get3A_211] : memref<4096xf32, #tpu.memory_space<vmem>>, vector<128xf32>
    %broadcast_in_dim3A_213 = vector.shape_cast %get3A_212 : vector<128xf32> to vector<1x128xf32>
    %add3A_214 = vector.broadcast %broadcast_in_dim3A : vector<512x1xf32> to vector<512x128xf32>
    %add3A_215 = vector.broadcast %broadcast_in_dim3A_213 : vector<1x128xf32> to vector<512x128xf32>
    %add3A_216 = arith.addf %add3A_214, %add3A_215 : vector<512x128xf32>
    %slice3A_217 = vector.extract_strided_slice %dot_general3A_12 {offsets = [0, 2048], sizes = [512, 128], strides = [1, 1]} : vector<512x4096xf32> to vector<512x128xf32>
    %sub3A_218 = arith.subf %add3A_216, %slice3A_217 : vector<512x128xf32>
    %lt3A_219 = arith.cmpf olt, %sub3A_218, %min3A_207 : vector<512x128xf32>
    %min3A_220 = arith.minimumf %min3A_207, %sub3A_218 : vector<512x128xf32>
    %jit3A_221 = arith.constant 1.600000e+01 : f32
    %broadcast_in_dim3A_222 = vector.broadcast %jit3A_221 : f32 to vector<512x128xf32>
    %select_n3A_223 = arith.select %lt3A_219, %broadcast_in_dim3A_222, %select_n3A_210 : vector<512x128xi1>, vector<512x128xf32>
    %get3A_224 = arith.constant 2176 : index
    %get3A_225 = vector.load %arg4[%get3A_224] : memref<4096xf32, #tpu.memory_space<vmem>>, vector<128xf32>
    %broadcast_in_dim3A_226 = vector.shape_cast %get3A_225 : vector<128xf32> to vector<1x128xf32>
    %add3A_227 = vector.broadcast %broadcast_in_dim3A : vector<512x1xf32> to vector<512x128xf32>
    %add3A_228 = vector.broadcast %broadcast_in_dim3A_226 : vector<1x128xf32> to vector<512x128xf32>
    %add3A_229 = arith.addf %add3A_227, %add3A_228 : vector<512x128xf32>
    %slice3A_230 = vector.extract_strided_slice %dot_general3A_12 {offsets = [0, 2176], sizes = [512, 128], strides = [1, 1]} : vector<512x4096xf32> to vector<512x128xf32>
    %sub3A_231 = arith.subf %add3A_229, %slice3A_230 : vector<512x128xf32>
    %lt3A_232 = arith.cmpf olt, %sub3A_231, %min3A_220 : vector<512x128xf32>
    %min3A_233 = arith.minimumf %min3A_220, %sub3A_231 : vector<512x128xf32>
    %jit3A_234 = arith.constant 1.700000e+01 : f32
    %broadcast_in_dim3A_235 = vector.broadcast %jit3A_234 : f32 to vector<512x128xf32>
    %select_n3A_236 = arith.select %lt3A_232, %broadcast_in_dim3A_235, %select_n3A_223 : vector<512x128xi1>, vector<512x128xf32>
    %get3A_237 = arith.constant 2304 : index
    %get3A_238 = vector.load %arg4[%get3A_237] : memref<4096xf32, #tpu.memory_space<vmem>>, vector<128xf32>
    %broadcast_in_dim3A_239 = vector.shape_cast %get3A_238 : vector<128xf32> to vector<1x128xf32>
    %add3A_240 = vector.broadcast %broadcast_in_dim3A : vector<512x1xf32> to vector<512x128xf32>
    %add3A_241 = vector.broadcast %broadcast_in_dim3A_239 : vector<1x128xf32> to vector<512x128xf32>
    %add3A_242 = arith.addf %add3A_240, %add3A_241 : vector<512x128xf32>
    %slice3A_243 = vector.extract_strided_slice %dot_general3A_12 {offsets = [0, 2304], sizes = [512, 128], strides = [1, 1]} : vector<512x4096xf32> to vector<512x128xf32>
    %sub3A_244 = arith.subf %add3A_242, %slice3A_243 : vector<512x128xf32>
    %lt3A_245 = arith.cmpf olt, %sub3A_244, %min3A_233 : vector<512x128xf32>
    %min3A_246 = arith.minimumf %min3A_233, %sub3A_244 : vector<512x128xf32>
    %jit3A_247 = arith.constant 1.800000e+01 : f32
    %broadcast_in_dim3A_248 = vector.broadcast %jit3A_247 : f32 to vector<512x128xf32>
    %select_n3A_249 = arith.select %lt3A_245, %broadcast_in_dim3A_248, %select_n3A_236 : vector<512x128xi1>, vector<512x128xf32>
    %get3A_250 = arith.constant 2432 : index
    %get3A_251 = vector.load %arg4[%get3A_250] : memref<4096xf32, #tpu.memory_space<vmem>>, vector<128xf32>
    %broadcast_in_dim3A_252 = vector.shape_cast %get3A_251 : vector<128xf32> to vector<1x128xf32>
    %add3A_253 = vector.broadcast %broadcast_in_dim3A : vector<512x1xf32> to vector<512x128xf32>
    %add3A_254 = vector.broadcast %broadcast_in_dim3A_252 : vector<1x128xf32> to vector<512x128xf32>
    %add3A_255 = arith.addf %add3A_253, %add3A_254 : vector<512x128xf32>
    %slice3A_256 = vector.extract_strided_slice %dot_general3A_12 {offsets = [0, 2432], sizes = [512, 128], strides = [1, 1]} : vector<512x4096xf32> to vector<512x128xf32>
    %sub3A_257 = arith.subf %add3A_255, %slice3A_256 : vector<512x128xf32>
    %lt3A_258 = arith.cmpf olt, %sub3A_257, %min3A_246 : vector<512x128xf32>
    %min3A_259 = arith.minimumf %min3A_246, %sub3A_257 : vector<512x128xf32>
    %jit3A_260 = arith.constant 1.900000e+01 : f32
    %broadcast_in_dim3A_261 = vector.broadcast %jit3A_260 : f32 to vector<512x128xf32>
    %select_n3A_262 = arith.select %lt3A_258, %broadcast_in_dim3A_261, %select_n3A_249 : vector<512x128xi1>, vector<512x128xf32>
    %get3A_263 = arith.constant 2560 : index
    %get3A_264 = vector.load %arg4[%get3A_263] : memref<4096xf32, #tpu.memory_space<vmem>>, vector<128xf32>
    %broadcast_in_dim3A_265 = vector.shape_cast %get3A_264 : vector<128xf32> to vector<1x128xf32>
    %add3A_266 = vector.broadcast %broadcast_in_dim3A : vector<512x1xf32> to vector<512x128xf32>
    %add3A_267 = vector.broadcast %broadcast_in_dim3A_265 : vector<1x128xf32> to vector<512x128xf32>
    %add3A_268 = arith.addf %add3A_266, %add3A_267 : vector<512x128xf32>
    %slice3A_269 = vector.extract_strided_slice %dot_general3A_12 {offsets = [0, 2560], sizes = [512, 128], strides = [1, 1]} : vector<512x4096xf32> to vector<512x128xf32>
    %sub3A_270 = arith.subf %add3A_268, %slice3A_269 : vector<512x128xf32>
    %lt3A_271 = arith.cmpf olt, %sub3A_270, %min3A_259 : vector<512x128xf32>
    %min3A_272 = arith.minimumf %min3A_259, %sub3A_270 : vector<512x128xf32>
    %jit3A_273 = arith.constant 2.000000e+01 : f32
    %broadcast_in_dim3A_274 = vector.broadcast %jit3A_273 : f32 to vector<512x128xf32>
    %select_n3A_275 = arith.select %lt3A_271, %broadcast_in_dim3A_274, %select_n3A_262 : vector<512x128xi1>, vector<512x128xf32>
    %get3A_276 = arith.constant 2688 : index
    %get3A_277 = vector.load %arg4[%get3A_276] : memref<4096xf32, #tpu.memory_space<vmem>>, vector<128xf32>
    %broadcast_in_dim3A_278 = vector.shape_cast %get3A_277 : vector<128xf32> to vector<1x128xf32>
    %add3A_279 = vector.broadcast %broadcast_in_dim3A : vector<512x1xf32> to vector<512x128xf32>
    %add3A_280 = vector.broadcast %broadcast_in_dim3A_278 : vector<1x128xf32> to vector<512x128xf32>
    %add3A_281 = arith.addf %add3A_279, %add3A_280 : vector<512x128xf32>
    %slice3A_282 = vector.extract_strided_slice %dot_general3A_12 {offsets = [0, 2688], sizes = [512, 128], strides = [1, 1]} : vector<512x4096xf32> to vector<512x128xf32>
    %sub3A_283 = arith.subf %add3A_281, %slice3A_282 : vector<512x128xf32>
    %lt3A_284 = arith.cmpf olt, %sub3A_283, %min3A_272 : vector<512x128xf32>
    %min3A_285 = arith.minimumf %min3A_272, %sub3A_283 : vector<512x128xf32>
    %jit3A_286 = arith.constant 2.100000e+01 : f32
    %broadcast_in_dim3A_287 = vector.broadcast %jit3A_286 : f32 to vector<512x128xf32>
    %select_n3A_288 = arith.select %lt3A_284, %broadcast_in_dim3A_287, %select_n3A_275 : vector<512x128xi1>, vector<512x128xf32>
    %get3A_289 = arith.constant 2816 : index
    %get3A_290 = vector.load %arg4[%get3A_289] : memref<4096xf32, #tpu.memory_space<vmem>>, vector<128xf32>
    %broadcast_in_dim3A_291 = vector.shape_cast %get3A_290 : vector<128xf32> to vector<1x128xf32>
    %add3A_292 = vector.broadcast %broadcast_in_dim3A : vector<512x1xf32> to vector<512x128xf32>
    %add3A_293 = vector.broadcast %broadcast_in_dim3A_291 : vector<1x128xf32> to vector<512x128xf32>
    %add3A_294 = arith.addf %add3A_292, %add3A_293 : vector<512x128xf32>
    %slice3A_295 = vector.extract_strided_slice %dot_general3A_12 {offsets = [0, 2816], sizes = [512, 128], strides = [1, 1]} : vector<512x4096xf32> to vector<512x128xf32>
    %sub3A_296 = arith.subf %add3A_294, %slice3A_295 : vector<512x128xf32>
    %lt3A_297 = arith.cmpf olt, %sub3A_296, %min3A_285 : vector<512x128xf32>
    %min3A_298 = arith.minimumf %min3A_285, %sub3A_296 : vector<512x128xf32>
    %jit3A_299 = arith.constant 2.200000e+01 : f32
    %broadcast_in_dim3A_300 = vector.broadcast %jit3A_299 : f32 to vector<512x128xf32>
    %select_n3A_301 = arith.select %lt3A_297, %broadcast_in_dim3A_300, %select_n3A_288 : vector<512x128xi1>, vector<512x128xf32>
    %get3A_302 = arith.constant 2944 : index
    %get3A_303 = vector.load %arg4[%get3A_302] : memref<4096xf32, #tpu.memory_space<vmem>>, vector<128xf32>
    %broadcast_in_dim3A_304 = vector.shape_cast %get3A_303 : vector<128xf32> to vector<1x128xf32>
    %add3A_305 = vector.broadcast %broadcast_in_dim3A : vector<512x1xf32> to vector<512x128xf32>
    %add3A_306 = vector.broadcast %broadcast_in_dim3A_304 : vector<1x128xf32> to vector<512x128xf32>
    %add3A_307 = arith.addf %add3A_305, %add3A_306 : vector<512x128xf32>
    %slice3A_308 = vector.extract_strided_slice %dot_general3A_12 {offsets = [0, 2944], sizes = [512, 128], strides = [1, 1]} : vector<512x4096xf32> to vector<512x128xf32>
    %sub3A_309 = arith.subf %add3A_307, %slice3A_308 : vector<512x128xf32>
    %lt3A_310 = arith.cmpf olt, %sub3A_309, %min3A_298 : vector<512x128xf32>
    %min3A_311 = arith.minimumf %min3A_298, %sub3A_309 : vector<512x128xf32>
    %jit3A_312 = arith.constant 2.300000e+01 : f32
    %broadcast_in_dim3A_313 = vector.broadcast %jit3A_312 : f32 to vector<512x128xf32>
    %select_n3A_314 = arith.select %lt3A_310, %broadcast_in_dim3A_313, %select_n3A_301 : vector<512x128xi1>, vector<512x128xf32>
    %get3A_315 = arith.constant 3072 : index
    %get3A_316 = vector.load %arg4[%get3A_315] : memref<4096xf32, #tpu.memory_space<vmem>>, vector<128xf32>
    %broadcast_in_dim3A_317 = vector.shape_cast %get3A_316 : vector<128xf32> to vector<1x128xf32>
    %add3A_318 = vector.broadcast %broadcast_in_dim3A : vector<512x1xf32> to vector<512x128xf32>
    %add3A_319 = vector.broadcast %broadcast_in_dim3A_317 : vector<1x128xf32> to vector<512x128xf32>
    %add3A_320 = arith.addf %add3A_318, %add3A_319 : vector<512x128xf32>
    %slice3A_321 = vector.extract_strided_slice %dot_general3A_12 {offsets = [0, 3072], sizes = [512, 128], strides = [1, 1]} : vector<512x4096xf32> to vector<512x128xf32>
    %sub3A_322 = arith.subf %add3A_320, %slice3A_321 : vector<512x128xf32>
    %lt3A_323 = arith.cmpf olt, %sub3A_322, %min3A_311 : vector<512x128xf32>
    %min3A_324 = arith.minimumf %min3A_311, %sub3A_322 : vector<512x128xf32>
    %jit3A_325 = arith.constant 2.400000e+01 : f32
    %broadcast_in_dim3A_326 = vector.broadcast %jit3A_325 : f32 to vector<512x128xf32>
    %select_n3A_327 = arith.select %lt3A_323, %broadcast_in_dim3A_326, %select_n3A_314 : vector<512x128xi1>, vector<512x128xf32>
    %get3A_328 = arith.constant 3200 : index
    %get3A_329 = vector.load %arg4[%get3A_328] : memref<4096xf32, #tpu.memory_space<vmem>>, vector<128xf32>
    %broadcast_in_dim3A_330 = vector.shape_cast %get3A_329 : vector<128xf32> to vector<1x128xf32>
    %add3A_331 = vector.broadcast %broadcast_in_dim3A : vector<512x1xf32> to vector<512x128xf32>
    %add3A_332 = vector.broadcast %broadcast_in_dim3A_330 : vector<1x128xf32> to vector<512x128xf32>
    %add3A_333 = arith.addf %add3A_331, %add3A_332 : vector<512x128xf32>
    %slice3A_334 = vector.extract_strided_slice %dot_general3A_12 {offsets = [0, 3200], sizes = [512, 128], strides = [1, 1]} : vector<512x4096xf32> to vector<512x128xf32>
    %sub3A_335 = arith.subf %add3A_333, %slice3A_334 : vector<512x128xf32>
    %lt3A_336 = arith.cmpf olt, %sub3A_335, %min3A_324 : vector<512x128xf32>
    %min3A_337 = arith.minimumf %min3A_324, %sub3A_335 : vector<512x128xf32>
    %jit3A_338 = arith.constant 2.500000e+01 : f32
    %broadcast_in_dim3A_339 = vector.broadcast %jit3A_338 : f32 to vector<512x128xf32>
    %select_n3A_340 = arith.select %lt3A_336, %broadcast_in_dim3A_339, %select_n3A_327 : vector<512x128xi1>, vector<512x128xf32>
    %get3A_341 = arith.constant 3328 : index
    %get3A_342 = vector.load %arg4[%get3A_341] : memref<4096xf32, #tpu.memory_space<vmem>>, vector<128xf32>
    %broadcast_in_dim3A_343 = vector.shape_cast %get3A_342 : vector<128xf32> to vector<1x128xf32>
    %add3A_344 = vector.broadcast %broadcast_in_dim3A : vector<512x1xf32> to vector<512x128xf32>
    %add3A_345 = vector.broadcast %broadcast_in_dim3A_343 : vector<1x128xf32> to vector<512x128xf32>
    %add3A_346 = arith.addf %add3A_344, %add3A_345 : vector<512x128xf32>
    %slice3A_347 = vector.extract_strided_slice %dot_general3A_12 {offsets = [0, 3328], sizes = [512, 128], strides = [1, 1]} : vector<512x4096xf32> to vector<512x128xf32>
    %sub3A_348 = arith.subf %add3A_346, %slice3A_347 : vector<512x128xf32>
    %lt3A_349 = arith.cmpf olt, %sub3A_348, %min3A_337 : vector<512x128xf32>
    %min3A_350 = arith.minimumf %min3A_337, %sub3A_348 : vector<512x128xf32>
    %jit3A_351 = arith.constant 2.600000e+01 : f32
    %broadcast_in_dim3A_352 = vector.broadcast %jit3A_351 : f32 to vector<512x128xf32>
    %select_n3A_353 = arith.select %lt3A_349, %broadcast_in_dim3A_352, %select_n3A_340 : vector<512x128xi1>, vector<512x128xf32>
    %get3A_354 = arith.constant 3456 : index
    %get3A_355 = vector.load %arg4[%get3A_354] : memref<4096xf32, #tpu.memory_space<vmem>>, vector<128xf32>
    %broadcast_in_dim3A_356 = vector.shape_cast %get3A_355 : vector<128xf32> to vector<1x128xf32>
    %add3A_357 = vector.broadcast %broadcast_in_dim3A : vector<512x1xf32> to vector<512x128xf32>
    %add3A_358 = vector.broadcast %broadcast_in_dim3A_356 : vector<1x128xf32> to vector<512x128xf32>
    %add3A_359 = arith.addf %add3A_357, %add3A_358 : vector<512x128xf32>
    %slice3A_360 = vector.extract_strided_slice %dot_general3A_12 {offsets = [0, 3456], sizes = [512, 128], strides = [1, 1]} : vector<512x4096xf32> to vector<512x128xf32>
    %sub3A_361 = arith.subf %add3A_359, %slice3A_360 : vector<512x128xf32>
    %lt3A_362 = arith.cmpf olt, %sub3A_361, %min3A_350 : vector<512x128xf32>
    %min3A_363 = arith.minimumf %min3A_350, %sub3A_361 : vector<512x128xf32>
    %jit3A_364 = arith.constant 2.700000e+01 : f32
    %broadcast_in_dim3A_365 = vector.broadcast %jit3A_364 : f32 to vector<512x128xf32>
    %select_n3A_366 = arith.select %lt3A_362, %broadcast_in_dim3A_365, %select_n3A_353 : vector<512x128xi1>, vector<512x128xf32>
    %get3A_367 = arith.constant 3584 : index
    %get3A_368 = vector.load %arg4[%get3A_367] : memref<4096xf32, #tpu.memory_space<vmem>>, vector<128xf32>
    %broadcast_in_dim3A_369 = vector.shape_cast %get3A_368 : vector<128xf32> to vector<1x128xf32>
    %add3A_370 = vector.broadcast %broadcast_in_dim3A : vector<512x1xf32> to vector<512x128xf32>
    %add3A_371 = vector.broadcast %broadcast_in_dim3A_369 : vector<1x128xf32> to vector<512x128xf32>
    %add3A_372 = arith.addf %add3A_370, %add3A_371 : vector<512x128xf32>
    %slice3A_373 = vector.extract_strided_slice %dot_general3A_12 {offsets = [0, 3584], sizes = [512, 128], strides = [1, 1]} : vector<512x4096xf32> to vector<512x128xf32>
    %sub3A_374 = arith.subf %add3A_372, %slice3A_373 : vector<512x128xf32>
    %lt3A_375 = arith.cmpf olt, %sub3A_374, %min3A_363 : vector<512x128xf32>
    %min3A_376 = arith.minimumf %min3A_363, %sub3A_374 : vector<512x128xf32>
    %jit3A_377 = arith.constant 2.800000e+01 : f32
    %broadcast_in_dim3A_378 = vector.broadcast %jit3A_377 : f32 to vector<512x128xf32>
    %select_n3A_379 = arith.select %lt3A_375, %broadcast_in_dim3A_378, %select_n3A_366 : vector<512x128xi1>, vector<512x128xf32>
    %get3A_380 = arith.constant 3712 : index
    %get3A_381 = vector.load %arg4[%get3A_380] : memref<4096xf32, #tpu.memory_space<vmem>>, vector<128xf32>
    %broadcast_in_dim3A_382 = vector.shape_cast %get3A_381 : vector<128xf32> to vector<1x128xf32>
    %add3A_383 = vector.broadcast %broadcast_in_dim3A : vector<512x1xf32> to vector<512x128xf32>
    %add3A_384 = vector.broadcast %broadcast_in_dim3A_382 : vector<1x128xf32> to vector<512x128xf32>
    %add3A_385 = arith.addf %add3A_383, %add3A_384 : vector<512x128xf32>
    %slice3A_386 = vector.extract_strided_slice %dot_general3A_12 {offsets = [0, 3712], sizes = [512, 128], strides = [1, 1]} : vector<512x4096xf32> to vector<512x128xf32>
    %sub3A_387 = arith.subf %add3A_385, %slice3A_386 : vector<512x128xf32>
    %lt3A_388 = arith.cmpf olt, %sub3A_387, %min3A_376 : vector<512x128xf32>
    %min3A_389 = arith.minimumf %min3A_376, %sub3A_387 : vector<512x128xf32>
    %jit3A_390 = arith.constant 2.900000e+01 : f32
    %broadcast_in_dim3A_391 = vector.broadcast %jit3A_390 : f32 to vector<512x128xf32>
    %select_n3A_392 = arith.select %lt3A_388, %broadcast_in_dim3A_391, %select_n3A_379 : vector<512x128xi1>, vector<512x128xf32>
    %get3A_393 = arith.constant 3840 : index
    %get3A_394 = vector.load %arg4[%get3A_393] : memref<4096xf32, #tpu.memory_space<vmem>>, vector<128xf32>
    %broadcast_in_dim3A_395 = vector.shape_cast %get3A_394 : vector<128xf32> to vector<1x128xf32>
    %add3A_396 = vector.broadcast %broadcast_in_dim3A : vector<512x1xf32> to vector<512x128xf32>
    %add3A_397 = vector.broadcast %broadcast_in_dim3A_395 : vector<1x128xf32> to vector<512x128xf32>
    %add3A_398 = arith.addf %add3A_396, %add3A_397 : vector<512x128xf32>
    %slice3A_399 = vector.extract_strided_slice %dot_general3A_12 {offsets = [0, 3840], sizes = [512, 128], strides = [1, 1]} : vector<512x4096xf32> to vector<512x128xf32>
    %sub3A_400 = arith.subf %add3A_398, %slice3A_399 : vector<512x128xf32>
    %lt3A_401 = arith.cmpf olt, %sub3A_400, %min3A_389 : vector<512x128xf32>
    %min3A_402 = arith.minimumf %min3A_389, %sub3A_400 : vector<512x128xf32>
    %jit3A_403 = arith.constant 3.000000e+01 : f32
    %broadcast_in_dim3A_404 = vector.broadcast %jit3A_403 : f32 to vector<512x128xf32>
    %select_n3A_405 = arith.select %lt3A_401, %broadcast_in_dim3A_404, %select_n3A_392 : vector<512x128xi1>, vector<512x128xf32>
    %get3A_406 = arith.constant 3968 : index
    %get3A_407 = vector.load %arg4[%get3A_406] : memref<4096xf32, #tpu.memory_space<vmem>>, vector<128xf32>
    %broadcast_in_dim3A_408 = vector.shape_cast %get3A_407 : vector<128xf32> to vector<1x128xf32>
    %add3A_409 = vector.broadcast %broadcast_in_dim3A : vector<512x1xf32> to vector<512x128xf32>
    %add3A_410 = vector.broadcast %broadcast_in_dim3A_408 : vector<1x128xf32> to vector<512x128xf32>
    %add3A_411 = arith.addf %add3A_409, %add3A_410 : vector<512x128xf32>
    %slice3A_412 = vector.extract_strided_slice %dot_general3A_12 {offsets = [0, 3968], sizes = [512, 128], strides = [1, 1]} : vector<512x4096xf32> to vector<512x128xf32>
    %sub3A_413 = arith.subf %add3A_411, %slice3A_412 : vector<512x128xf32>
    %lt3A_414 = arith.cmpf olt, %sub3A_413, %min3A_402 : vector<512x128xf32>
    %min3A_415 = arith.minimumf %min3A_402, %sub3A_413 : vector<512x128xf32>
    %jit3A_416 = arith.constant 3.100000e+01 : f32
    %broadcast_in_dim3A_417 = vector.broadcast %jit3A_416 : f32 to vector<512x128xf32>
    %select_n3A_418 = arith.select %lt3A_414, %broadcast_in_dim3A_417, %select_n3A_405 : vector<512x128xi1>, vector<512x128xf32>
    %reduce_min3A = arith.constant dense<0x7F800000> : vector<512xf32>
    %reduce_min3A_419 = vector.multi_reduction <minimumf>, %min3A_415, %reduce_min3A [1] : vector<512x128xf32> to vector<512xf32>
    %broadcast_in_dim3A_420 = vector.shape_cast %reduce_min3A_419 : vector<512xf32> to vector<512x1xf32>
    %iota3A = tpu.iota {dimensions = array<i32: 1>} : vector<512x128xi32>
    %convert_element_type3A_421 = arith.sitofp %iota3A : vector<512x128xi32> to vector<512x128xf32>
    %mul3A = arith.constant 1.280000e+02 : f32
    %mul3A_422 = vector.broadcast %mul3A : f32 to vector<512x128xf32>
    %mul3A_423 = arith.mulf %select_n3A_418, %mul3A_422 : vector<512x128xf32>
    %add3A_424 = arith.addf %mul3A_423, %convert_element_type3A_421 : vector<512x128xf32>
    %eq3A_425 = vector.broadcast %broadcast_in_dim3A_420 : vector<512x1xf32> to vector<512x128xf32>
    %eq3A_426 = arith.cmpf oeq, %min3A_415, %eq3A_425 : vector<512x128xf32>
    %jit3A_427 = arith.constant 4.096000e+03 : f32
    %broadcast_in_dim3A_428 = vector.broadcast %jit3A_427 : f32 to vector<512x128xf32>
    %select_n3A_429 = arith.select %eq3A_426, %add3A_424, %broadcast_in_dim3A_428 : vector<512x128xi1>, vector<512x128xf32>
    %reduce_min3A_430 = arith.constant dense<0x7F800000> : vector<512xf32>
    %reduce_min3A_431 = vector.multi_reduction <minimumf>, %select_n3A_429, %reduce_min3A_430 [1] : vector<512x128xf32> to vector<512xf32>
    %convert_element_type3A_432 = arith.fptosi %reduce_min3A_431 : vector<512xf32> to vector<512xi32>
    %swap3A = arith.constant 0 : index
    %swap3A_433 = vector.load %arg5[%swap3A] : memref<512xi32, #tpu.memory_space<vmem>>, vector<512xi32>
    tpu.vector_store %arg5[%swap3A], %convert_element_type3A_432 {strides = array<i32>} : memref<512xi32, #tpu.memory_space<vmem>>, vector<512xi32>,
    %eq3A_434 = arith.constant 0 : i32
    %eq3A_435 = arith.cmpi eq, %arg0, %eq3A_434 : i32
    %convert_element_type3A_436 = arith.extui %eq3A_435 : i1 to i32
    %cond3A_437 = arith.constant 0 : i32
    %cond3A_438 = arith.cmpi ne, %convert_element_type3A_436, %cond3A_437 : i32
    scf.if %cond3A_438 {
      %swap3A_450 = arith.constant 0.000000e+00 : f32
      %swap3A_451 = arith.constant 0 : index
      %swap3A_452 = arith.constant 0 : index
      %swap3A_453 = memref.load %arg6[%swap3A_451, %swap3A_452] : memref<1x1xf32, #tpu.memory_space<smem>>
      memref.store %swap3A_450, %arg6[%swap3A_451, %swap3A_452] : memref<1x1xf32, #tpu.memory_space<smem>>
    } else {
    }
    %get3A_439 = arith.constant 0 : index
    %get3A_440 = arith.constant 0 : index
    %get3A_441 = memref.load %arg6[%get3A_439, %get3A_440] : memref<1x1xf32, #tpu.memory_space<smem>>
    %reduce_sum3A = vector.shape_cast %broadcast_in_dim3A_420 : vector<512x1xf32> to vector<1x512x1xf32>
    %reduce_sum3A_442 = arith.constant dense<0.000000e+00> : vector<1xf32>
    %reduce_sum3A_443 = vector.multi_reduction <add>, %reduce_sum3A, %reduce_sum3A_442 [1, 2] : vector<1x512x1xf32> to vector<1xf32>
    %reduce_sum3A_444 = vector.shape_cast %reduce_sum3A_443 : vector<1xf32> to vector<1x1x1xf32>
    %reduce_sum3A_445 = vector.extract %reduce_sum3A_444[0, 0, 0] : f32 from vector<1x1x1xf32>
    %add3A_446 = arith.addf %get3A_441, %reduce_sum3A_445 : f32
    %swap3A_447 = arith.constant 0 : index
    %swap3A_448 = arith.constant 0 : index
    %swap3A_449 = memref.load %arg6[%swap3A_447, %swap3A_448] : memref<1x1xf32, #tpu.memory_space<smem>>
    memref.store %add3A_446, %arg6[%swap3A_447, %swap3A_448] : memref<1x1xf32, #tpu.memory_space<smem>>
    return
  }
  func.func @transform_0(%arg0: i32) -> (i32, i32) {
    %add3A = arith.constant 0 : i32
    %add3A_0 = arith.addi %add3A, %arg0 : i32
    %c0_i32 = arith.constant 0 : i32
    %c0_i32_1 = arith.constant 0 : i32
    return %add3A_0, %c0_i32 : i32, i32
  }
  func.func @transform_1(%arg0: i32) -> (i32, i32) {
    %c0_i32 = arith.constant 0 : i32
    %c0_i32_0 = arith.constant 0 : i32
    %c0_i32_1 = arith.constant 0 : i32
    return %c0_i32, %c0_i32_0 : i32, i32
  }
  func.func @transform_2(%arg0: i32) -> (i32, i32, i32) {
    %add3A = arith.constant 0 : i32
    %add3A_0 = arith.addi %add3A, %arg0 : i32
    %c0_i32 = arith.constant 0 : i32
    %c0_i32_1 = arith.constant 0 : i32
    %c0_i32_2 = arith.constant 0 : i32
    return %add3A_0, %c0_i32, %c0_i32_1 : i32, i32, i32
  }
  func.func @transform_3(%arg0: i32) -> i32 {
    %c0_i32 = arith.constant 0 : i32
    %c0_i32_0 = arith.constant 0 : i32
    return %c0_i32 : i32
  }
  func.func @transform_4(%arg0: i32) -> i32 {
    %c0_i32 = arith.constant 0 : i32
    return %arg0 : i32
  }
  func.func @transform_5(%arg0: i32) -> (i32, i32) {
    %c0_i32 = arith.constant 0 : i32
    %c0_i32_0 = arith.constant 0 : i32
    %c0_i32_1 = arith.constant 0 : i32
    return %c0_i32, %c0_i32_0 : i32, i32
  }
}

module attributes {stable_mosaic.version = 14 : i64} {
  func.func @_vq_dist_body(%arg0: i32, %arg1: memref<512x512xf32, #tpu.memory_space<vmem>>, %arg2: memref<4096x512xf32, #tpu.memory_space<vmem>>, %arg3: memref<1x1x512xf32, #tpu.memory_space<vmem>>, %arg4: memref<4096xf32, #tpu.memory_space<vmem>>, %arg5: memref<512xi32, #tpu.memory_space<vmem>>, %arg6: memref<1x1xf32, #tpu.memory_space<smem>>, %arg7: memref<4096x512xf32, #tpu.memory_space<vmem>>) attributes {dimension_semantics = [#tpu.dimension_semantics<arbitrary>], iteration_bounds = array<i64: 8>, scalar_prefetch = 0 : i64, scratch_operands = 1 : i64, tpu.core_type = #tpu.core_type<tc>, window_params = [{transform_indices = @transform_0, window_bounds = array<i64: 512, 512>}, {pipeline_mode = #tpu.pipeline_mode<synchronous>, transform_indices = @transform_1, window_bounds = array<i64: 4096, 512>}, {transform_indices = @transform_2, window_bounds = array<i64: 1, 1, 512>}, {pipeline_mode = #tpu.pipeline_mode<synchronous>, transform_indices = @transform_3, window_bounds = array<i64: 4096>}, {transform_indices = @transform_4, window_bounds = array<i64: 512>}, {transform_indices = @transform_5, window_bounds = array<i64: 1, 1>}]} {
    %eq3A = arith.constant 0 : i32
    %eq3A_0 = arith.cmpi eq, %arg0, %eq3A : i32
    %convert_element_type3A = arith.extui %eq3A_0 : i1 to i32
    %cond3A = arith.constant 0 : i32
    %cond3A_1 = arith.cmpi ne, %convert_element_type3A, %cond3A : i32
    scf.if %cond3A_1 {
      %get3A_450 = arith.constant 0 : index
      %get3A_451 = arith.constant 0 : index
      %get3A_452 = vector.load %arg2[%get3A_450, %get3A_451] : memref<4096x512xf32, #tpu.memory_space<vmem>>, vector<4096x512xf32>
      %add3A_453 = arith.addf %get3A_452, %get3A_452 : vector<4096x512xf32>
      %swap3A_454 = arith.constant 0 : index
      %swap3A_455 = arith.constant 0 : index
      %swap3A_456 = vector.load %arg7[%swap3A_454, %swap3A_455] : memref<4096x512xf32, #tpu.memory_space<vmem>>, vector<4096x512xf32>
      tpu.vector_store %arg7[%swap3A_454, %swap3A_455], %add3A_453 {strides = array<i32>} : memref<4096x512xf32, #tpu.memory_space<vmem>>, vector<4096x512xf32>,
    } else {
    }
    %get3A = arith.constant 0 : index
    %get3A_2 = arith.constant 0 : index
    %get3A_3 = vector.load %arg1[%get3A, %get3A_2] : memref<512x512xf32, #tpu.memory_space<vmem>>, vector<512x512xf32>
    %get3A_4 = arith.constant 0 : index
    %get3A_5 = arith.constant 0 : index
    %get3A_6 = vector.load %arg7[%get3A_4, %get3A_5] : memref<4096x512xf32, #tpu.memory_space<vmem>>, vector<4096x512xf32>
    %get3A_7 = arith.constant 0 : index
    %get3A_8 = arith.constant 0 : index
    %get3A_9 = arith.constant 0 : index
    %get3A_10 = vector.load %arg3[%get3A_7, %get3A_8, %get3A_9] : memref<1x1x512xf32, #tpu.memory_space<vmem>>, vector<1x1x512xf32>
    %get3A_11 = vector.shape_cast %get3A_10 : vector<1x1x512xf32> to vector<512xf32>
    %broadcast_in_dim3A = vector.shape_cast %get3A_11 : vector<512xf32> to vector<512x1xf32>
    %dot_general3A = arith.constant dense<0.000000e+00> : vector<512x4096xf32>
    %dot_general3A_12 = tpu.matmul %get3A_3, %get3A_6, %dot_general3A {dimension_numbers = #tpu.dot_dimension_numbers<[1], [1], [0], [0], [0, 0, 1, 0], [], []>, transpose_lhs_hint = false} : vector<512x512xf32>, vector<4096x512xf32>, vector<512x4096xf32> -> vector<512x4096xf32>
    %get3A_13 = arith.constant 0 : index
    %get3A_14 = vector.load %arg4[%get3A_13] : memref<4096xf32, #tpu.memory_space<vmem>>, vector<128xf32>
    %broadcast_in_dim3A_15 = vector.shape_cast %get3A_14 : vector<128xf32> to vector<1x128xf32>
    %add3A = vector.broadcast %broadcast_in_dim3A : vector<512x1xf32> to vector<512x128xf32>
    %add3A_16 = vector.broadcast %broadcast_in_dim3A_15 : vector<1x128xf32> to vector<512x128xf32>
    %add3A_17 = arith.addf %add3A, %add3A_16 : vector<512x128xf32>
    %slice3A = vector.extract_strided_slice %dot_general3A_12 {offsets = [0, 0], sizes = [512, 128], strides = [1, 1]} : vector<512x4096xf32> to vector<512x128xf32>
    %sub3A = arith.subf %add3A_17, %slice3A : vector<512x128xf32>
    %broadcast_in_dim3A_18 = arith.constant 0.000000e+00 : f32
    %broadcast_in_dim3A_19 = vector.broadcast %broadcast_in_dim3A_18 : f32 to vector<512x128xf32>
    %get3A_20 = arith.constant 128 : index
    %get3A_21 = vector.load %arg4[%get3A_20] : memref<4096xf32, #tpu.memory_space<vmem>>, vector<128xf32>
    %broadcast_in_dim3A_22 = vector.shape_cast %get3A_21 : vector<128xf32> to vector<1x128xf32>
    %add3A_23 = vector.broadcast %broadcast_in_dim3A : vector<512x1xf32> to vector<512x128xf32>
    %add3A_24 = vector.broadcast %broadcast_in_dim3A_22 : vector<1x128xf32> to vector<512x128xf32>
    %add3A_25 = arith.addf %add3A_23, %add3A_24 : vector<512x128xf32>
    %slice3A_26 = vector.extract_strided_slice %dot_general3A_12 {offsets = [0, 128], sizes = [512, 128], strides = [1, 1]} : vector<512x4096xf32> to vector<512x128xf32>
    %sub3A_27 = arith.subf %add3A_25, %slice3A_26 : vector<512x128xf32>
    %lt3A = arith.cmpf olt, %sub3A_27, %sub3A : vector<512x128xf32>
    %min3A = arith.minimumf %sub3A, %sub3A_27 : vector<512x128xf32>
    %jit3A = arith.constant 1.000000e+00 : f32
    %broadcast_in_dim3A_28 = vector.broadcast %jit3A : f32 to vector<512x128xf32>
    %select_n3A = arith.select %lt3A, %broadcast_in_dim3A_28, %broadcast_in_dim3A_19 : vector<512x128xi1>, vector<512x128xf32>
    %get3A_29 = arith.constant 256 : index
    %get3A_30 = vector.load %arg4[%get3A_29] : memref<4096xf32, #tpu.memory_space<vmem>>, vector<128xf32>
    %broadcast_in_dim3A_31 = vector.shape_cast %get3A_30 : vector<128xf32> to vector<1x128xf32>
    %add3A_32 = vector.broadcast %broadcast_in_dim3A : vector<512x1xf32> to vector<512x128xf32>
    %add3A_33 = vector.broadcast %broadcast_in_dim3A_31 : vector<1x128xf32> to vector<512x128xf32>
    %add3A_34 = arith.addf %add3A_32, %add3A_33 : vector<512x128xf32>
    %slice3A_35 = vector.extract_strided_slice %dot_general3A_12 {offsets = [0, 256], sizes = [512, 128], strides = [1, 1]} : vector<512x4096xf32> to vector<512x128xf32>
    %sub3A_36 = arith.subf %add3A_34, %slice3A_35 : vector<512x128xf32>
    %lt3A_37 = arith.cmpf olt, %sub3A_36, %min3A : vector<512x128xf32>
    %min3A_38 = arith.minimumf %min3A, %sub3A_36 : vector<512x128xf32>
    %jit3A_39 = arith.constant 2.000000e+00 : f32
    %broadcast_in_dim3A_40 = vector.broadcast %jit3A_39 : f32 to vector<512x128xf32>
    %select_n3A_41 = arith.select %lt3A_37, %broadcast_in_dim3A_40, %select_n3A : vector<512x128xi1>, vector<512x128xf32>
    %get3A_42 = arith.constant 384 : index
    %get3A_43 = vector.load %arg4[%get3A_42] : memref<4096xf32, #tpu.memory_space<vmem>>, vector<128xf32>
    %broadcast_in_dim3A_44 = vector.shape_cast %get3A_43 : vector<128xf32> to vector<1x128xf32>
    %add3A_45 = vector.broadcast %broadcast_in_dim3A : vector<512x1xf32> to vector<512x128xf32>
    %add3A_46 = vector.broadcast %broadcast_in_dim3A_44 : vector<1x128xf32> to vector<512x128xf32>
    %add3A_47 = arith.addf %add3A_45, %add3A_46 : vector<512x128xf32>
    %slice3A_48 = vector.extract_strided_slice %dot_general3A_12 {offsets = [0, 384], sizes = [512, 128], strides = [1, 1]} : vector<512x4096xf32> to vector<512x128xf32>
    %sub3A_49 = arith.subf %add3A_47, %slice3A_48 : vector<512x128xf32>
    %lt3A_50 = arith.cmpf olt, %sub3A_49, %min3A_38 : vector<512x128xf32>
    %min3A_51 = arith.minimumf %min3A_38, %sub3A_49 : vector<512x128xf32>
    %jit3A_52 = arith.constant 3.000000e+00 : f32
    %broadcast_in_dim3A_53 = vector.broadcast %jit3A_52 : f32 to vector<512x128xf32>
    %select_n3A_54 = arith.select %lt3A_50, %broadcast_in_dim3A_53, %select_n3A_41 : vector<512x128xi1>, vector<512x128xf32>
    %get3A_55 = arith.constant 512 : index
    %get3A_56 = vector.load %arg4[%get3A_55] : memref<4096xf32, #tpu.memory_space<vmem>>, vector<128xf32>
    %broadcast_in_dim3A_57 = vector.shape_cast %get3A_56 : vector<128xf32> to vector<1x128xf32>
    %add3A_58 = vector.broadcast %broadcast_in_dim3A : vector<512x1xf32> to vector<512x128xf32>
    %add3A_59 = vector.broadcast %broadcast_in_dim3A_57 : vector<1x128xf32> to vector<512x128xf32>
    %add3A_60 = arith.addf %add3A_58, %add3A_59 : vector<512x128xf32>
    %slice3A_61 = vector.extract_strided_slice %dot_general3A_12 {offsets = [0, 512], sizes = [512, 128], strides = [1, 1]} : vector<512x4096xf32> to vector<512x128xf32>
    %sub3A_62 = arith.subf %add3A_60, %slice3A_61 : vector<512x128xf32>
    %lt3A_63 = arith.cmpf olt, %sub3A_62, %min3A_51 : vector<512x128xf32>
    %min3A_64 = arith.minimumf %min3A_51, %sub3A_62 : vector<512x128xf32>
    %jit3A_65 = arith.constant 4.000000e+00 : f32
    %broadcast_in_dim3A_66 = vector.broadcast %jit3A_65 : f32 to vector<512x128xf32>
    %select_n3A_67 = arith.select %lt3A_63, %broadcast_in_dim3A_66, %select_n3A_54 : vector<512x128xi1>, vector<512x128xf32>
    %get3A_68 = arith.constant 640 : index
    %get3A_69 = vector.load %arg4[%get3A_68] : memref<4096xf32, #tpu.memory_space<vmem>>, vector<128xf32>
    %broadcast_in_dim3A_70 = vector.shape_cast %get3A_69 : vector<128xf32> to vector<1x128xf32>
    %add3A_71 = vector.broadcast %broadcast_in_dim3A : vector<512x1xf32> to vector<512x128xf32>
    %add3A_72 = vector.broadcast %broadcast_in_dim3A_70 : vector<1x128xf32> to vector<512x128xf32>
    %add3A_73 = arith.addf %add3A_71, %add3A_72 : vector<512x128xf32>
    %slice3A_74 = vector.extract_strided_slice %dot_general3A_12 {offsets = [0, 640], sizes = [512, 128], strides = [1, 1]} : vector<512x4096xf32> to vector<512x128xf32>
    %sub3A_75 = arith.subf %add3A_73, %slice3A_74 : vector<512x128xf32>
    %lt3A_76 = arith.cmpf olt, %sub3A_75, %min3A_64 : vector<512x128xf32>
    %min3A_77 = arith.minimumf %min3A_64, %sub3A_75 : vector<512x128xf32>
    %jit3A_78 = arith.constant 5.000000e+00 : f32
    %broadcast_in_dim3A_79 = vector.broadcast %jit3A_78 : f32 to vector<512x128xf32>
    %select_n3A_80 = arith.select %lt3A_76, %broadcast_in_dim3A_79, %select_n3A_67 : vector<512x128xi1>, vector<512x128xf32>
    %get3A_81 = arith.constant 768 : index
    %get3A_82 = vector.load %arg4[%get3A_81] : memref<4096xf32, #tpu.memory_space<vmem>>, vector<128xf32>
    %broadcast_in_dim3A_83 = vector.shape_cast %get3A_82 : vector<128xf32> to vector<1x128xf32>
    %add3A_84 = vector.broadcast %broadcast_in_dim3A : vector<512x1xf32> to vector<512x128xf32>
    %add3A_85 = vector.broadcast %broadcast_in_dim3A_83 : vector<1x128xf32> to vector<512x128xf32>
    %add3A_86 = arith.addf %add3A_84, %add3A_85 : vector<512x128xf32>
    %slice3A_87 = vector.extract_strided_slice %dot_general3A_12 {offsets = [0, 768], sizes = [512, 128], strides = [1, 1]} : vector<512x4096xf32> to vector<512x128xf32>
    %sub3A_88 = arith.subf %add3A_86, %slice3A_87 : vector<512x128xf32>
    %lt3A_89 = arith.cmpf olt, %sub3A_88, %min3A_77 : vector<512x128xf32>
    %min3A_90 = arith.minimumf %min3A_77, %sub3A_88 : vector<512x128xf32>
    %jit3A_91 = arith.constant 6.000000e+00 : f32
    %broadcast_in_dim3A_92 = vector.broadcast %jit3A_91 : f32 to vector<512x128xf32>
    %select_n3A_93 = arith.select %lt3A_89, %broadcast_in_dim3A_92, %select_n3A_80 : vector<512x128xi1>, vector<512x128xf32>
    %get3A_94 = arith.constant 896 : index
    %get3A_95 = vector.load %arg4[%get3A_94] : memref<4096xf32, #tpu.memory_space<vmem>>, vector<128xf32>
    %broadcast_in_dim3A_96 = vector.shape_cast %get3A_95 : vector<128xf32> to vector<1x128xf32>
    %add3A_97 = vector.broadcast %broadcast_in_dim3A : vector<512x1xf32> to vector<512x128xf32>
    %add3A_98 = vector.broadcast %broadcast_in_dim3A_96 : vector<1x128xf32> to vector<512x128xf32>
    %add3A_99 = arith.addf %add3A_97, %add3A_98 : vector<512x128xf32>
    %slice3A_100 = vector.extract_strided_slice %dot_general3A_12 {offsets = [0, 896], sizes = [512, 128], strides = [1, 1]} : vector<512x4096xf32> to vector<512x128xf32>
    %sub3A_101 = arith.subf %add3A_99, %slice3A_100 : vector<512x128xf32>
    %lt3A_102 = arith.cmpf olt, %sub3A_101, %min3A_90 : vector<512x128xf32>
    %min3A_103 = arith.minimumf %min3A_90, %sub3A_101 : vector<512x128xf32>
    %jit3A_104 = arith.constant 7.000000e+00 : f32
    %broadcast_in_dim3A_105 = vector.broadcast %jit3A_104 : f32 to vector<512x128xf32>
    %select_n3A_106 = arith.select %lt3A_102, %broadcast_in_dim3A_105, %select_n3A_93 : vector<512x128xi1>, vector<512x128xf32>
    %get3A_107 = arith.constant 1024 : index
    %get3A_108 = vector.load %arg4[%get3A_107] : memref<4096xf32, #tpu.memory_space<vmem>>, vector<128xf32>
    %broadcast_in_dim3A_109 = vector.shape_cast %get3A_108 : vector<128xf32> to vector<1x128xf32>
    %add3A_110 = vector.broadcast %broadcast_in_dim3A : vector<512x1xf32> to vector<512x128xf32>
    %add3A_111 = vector.broadcast %broadcast_in_dim3A_109 : vector<1x128xf32> to vector<512x128xf32>
    %add3A_112 = arith.addf %add3A_110, %add3A_111 : vector<512x128xf32>
    %slice3A_113 = vector.extract_strided_slice %dot_general3A_12 {offsets = [0, 1024], sizes = [512, 128], strides = [1, 1]} : vector<512x4096xf32> to vector<512x128xf32>
    %sub3A_114 = arith.subf %add3A_112, %slice3A_113 : vector<512x128xf32>
    %lt3A_115 = arith.cmpf olt, %sub3A_114, %min3A_103 : vector<512x128xf32>
    %min3A_116 = arith.minimumf %min3A_103, %sub3A_114 : vector<512x128xf32>
    %jit3A_117 = arith.constant 8.000000e+00 : f32
    %broadcast_in_dim3A_118 = vector.broadcast %jit3A_117 : f32 to vector<512x128xf32>
    %select_n3A_119 = arith.select %lt3A_115, %broadcast_in_dim3A_118, %select_n3A_106 : vector<512x128xi1>, vector<512x128xf32>
    %get3A_120 = arith.constant 1152 : index
    %get3A_121 = vector.load %arg4[%get3A_120] : memref<4096xf32, #tpu.memory_space<vmem>>, vector<128xf32>
    %broadcast_in_dim3A_122 = vector.shape_cast %get3A_121 : vector<128xf32> to vector<1x128xf32>
    %add3A_123 = vector.broadcast %broadcast_in_dim3A : vector<512x1xf32> to vector<512x128xf32>
    %add3A_124 = vector.broadcast %broadcast_in_dim3A_122 : vector<1x128xf32> to vector<512x128xf32>
    %add3A_125 = arith.addf %add3A_123, %add3A_124 : vector<512x128xf32>
    %slice3A_126 = vector.extract_strided_slice %dot_general3A_12 {offsets = [0, 1152], sizes = [512, 128], strides = [1, 1]} : vector<512x4096xf32> to vector<512x128xf32>
    %sub3A_127 = arith.subf %add3A_125, %slice3A_126 : vector<512x128xf32>
    %lt3A_128 = arith.cmpf olt, %sub3A_127, %min3A_116 : vector<512x128xf32>
    %min3A_129 = arith.minimumf %min3A_116, %sub3A_127 : vector<512x128xf32>
    %jit3A_130 = arith.constant 9.000000e+00 : f32
    %broadcast_in_dim3A_131 = vector.broadcast %jit3A_130 : f32 to vector<512x128xf32>
    %select_n3A_132 = arith.select %lt3A_128, %broadcast_in_dim3A_131, %select_n3A_119 : vector<512x128xi1>, vector<512x128xf32>
    %get3A_133 = arith.constant 1280 : index
    %get3A_134 = vector.load %arg4[%get3A_133] : memref<4096xf32, #tpu.memory_space<vmem>>, vector<128xf32>
    %broadcast_in_dim3A_135 = vector.shape_cast %get3A_134 : vector<128xf32> to vector<1x128xf32>
    %add3A_136 = vector.broadcast %broadcast_in_dim3A : vector<512x1xf32> to vector<512x128xf32>
    %add3A_137 = vector.broadcast %broadcast_in_dim3A_135 : vector<1x128xf32> to vector<512x128xf32>
    %add3A_138 = arith.addf %add3A_136, %add3A_137 : vector<512x128xf32>
    %slice3A_139 = vector.extract_strided_slice %dot_general3A_12 {offsets = [0, 1280], sizes = [512, 128], strides = [1, 1]} : vector<512x4096xf32> to vector<512x128xf32>
    %sub3A_140 = arith.subf %add3A_138, %slice3A_139 : vector<512x128xf32>
    %lt3A_141 = arith.cmpf olt, %sub3A_140, %min3A_129 : vector<512x128xf32>
    %min3A_142 = arith.minimumf %min3A_129, %sub3A_140 : vector<512x128xf32>
    %jit3A_143 = arith.constant 1.000000e+01 : f32
    %broadcast_in_dim3A_144 = vector.broadcast %jit3A_143 : f32 to vector<512x128xf32>
    %select_n3A_145 = arith.select %lt3A_141, %broadcast_in_dim3A_144, %select_n3A_132 : vector<512x128xi1>, vector<512x128xf32>
    %get3A_146 = arith.constant 1408 : index
    %get3A_147 = vector.load %arg4[%get3A_146] : memref<4096xf32, #tpu.memory_space<vmem>>, vector<128xf32>
    %broadcast_in_dim3A_148 = vector.shape_cast %get3A_147 : vector<128xf32> to vector<1x128xf32>
    %add3A_149 = vector.broadcast %broadcast_in_dim3A : vector<512x1xf32> to vector<512x128xf32>
    %add3A_150 = vector.broadcast %broadcast_in_dim3A_148 : vector<1x128xf32> to vector<512x128xf32>
    %add3A_151 = arith.addf %add3A_149, %add3A_150 : vector<512x128xf32>
    %slice3A_152 = vector.extract_strided_slice %dot_general3A_12 {offsets = [0, 1408], sizes = [512, 128], strides = [1, 1]} : vector<512x4096xf32> to vector<512x128xf32>
    %sub3A_153 = arith.subf %add3A_151, %slice3A_152 : vector<512x128xf32>
    %lt3A_154 = arith.cmpf olt, %sub3A_153, %min3A_142 : vector<512x128xf32>
    %min3A_155 = arith.minimumf %min3A_142, %sub3A_153 : vector<512x128xf32>
    %jit3A_156 = arith.constant 1.100000e+01 : f32
    %broadcast_in_dim3A_157 = vector.broadcast %jit3A_156 : f32 to vector<512x128xf32>
    %select_n3A_158 = arith.select %lt3A_154, %broadcast_in_dim3A_157, %select_n3A_145 : vector<512x128xi1>, vector<512x128xf32>
    %get3A_159 = arith.constant 1536 : index
    %get3A_160 = vector.load %arg4[%get3A_159] : memref<4096xf32, #tpu.memory_space<vmem>>, vector<128xf32>
    %broadcast_in_dim3A_161 = vector.shape_cast %get3A_160 : vector<128xf32> to vector<1x128xf32>
    %add3A_162 = vector.broadcast %broadcast_in_dim3A : vector<512x1xf32> to vector<512x128xf32>
    %add3A_163 = vector.broadcast %broadcast_in_dim3A_161 : vector<1x128xf32> to vector<512x128xf32>
    %add3A_164 = arith.addf %add3A_162, %add3A_163 : vector<512x128xf32>
    %slice3A_165 = vector.extract_strided_slice %dot_general3A_12 {offsets = [0, 1536], sizes = [512, 128], strides = [1, 1]} : vector<512x4096xf32> to vector<512x128xf32>
    %sub3A_166 = arith.subf %add3A_164, %slice3A_165 : vector<512x128xf32>
    %lt3A_167 = arith.cmpf olt, %sub3A_166, %min3A_155 : vector<512x128xf32>
    %min3A_168 = arith.minimumf %min3A_155, %sub3A_166 : vector<512x128xf32>
    %jit3A_169 = arith.constant 1.200000e+01 : f32
    %broadcast_in_dim3A_170 = vector.broadcast %jit3A_169 : f32 to vector<512x128xf32>
    %select_n3A_171 = arith.select %lt3A_167, %broadcast_in_dim3A_170, %select_n3A_158 : vector<512x128xi1>, vector<512x128xf32>
    %get3A_172 = arith.constant 1664 : index
    %get3A_173 = vector.load %arg4[%get3A_172] : memref<4096xf32, #tpu.memory_space<vmem>>, vector<128xf32>
    %broadcast_in_dim3A_174 = vector.shape_cast %get3A_173 : vector<128xf32> to vector<1x128xf32>
    %add3A_175 = vector.broadcast %broadcast_in_dim3A : vector<512x1xf32> to vector<512x128xf32>
    %add3A_176 = vector.broadcast %broadcast_in_dim3A_174 : vector<1x128xf32> to vector<512x128xf32>
    %add3A_177 = arith.addf %add3A_175, %add3A_176 : vector<512x128xf32>
    %slice3A_178 = vector.extract_strided_slice %dot_general3A_12 {offsets = [0, 1664], sizes = [512, 128], strides = [1, 1]} : vector<512x4096xf32> to vector<512x128xf32>
    %sub3A_179 = arith.subf %add3A_177, %slice3A_178 : vector<512x128xf32>
    %lt3A_180 = arith.cmpf olt, %sub3A_179, %min3A_168 : vector<512x128xf32>
    %min3A_181 = arith.minimumf %min3A_168, %sub3A_179 : vector<512x128xf32>
    %jit3A_182 = arith.constant 1.300000e+01 : f32
    %broadcast_in_dim3A_183 = vector.broadcast %jit3A_182 : f32 to vector<512x128xf32>
    %select_n3A_184 = arith.select %lt3A_180, %broadcast_in_dim3A_183, %select_n3A_171 : vector<512x128xi1>, vector<512x128xf32>
    %get3A_185 = arith.constant 1792 : index
    %get3A_186 = vector.load %arg4[%get3A_185] : memref<4096xf32, #tpu.memory_space<vmem>>, vector<128xf32>
    %broadcast_in_dim3A_187 = vector.shape_cast %get3A_186 : vector<128xf32> to vector<1x128xf32>
    %add3A_188 = vector.broadcast %broadcast_in_dim3A : vector<512x1xf32> to vector<512x128xf32>
    %add3A_189 = vector.broadcast %broadcast_in_dim3A_187 : vector<1x128xf32> to vector<512x128xf32>
    %add3A_190 = arith.addf %add3A_188, %add3A_189 : vector<512x128xf32>
    %slice3A_191 = vector.extract_strided_slice %dot_general3A_12 {offsets = [0, 1792], sizes = [512, 128], strides = [1, 1]} : vector<512x4096xf32> to vector<512x128xf32>
    %sub3A_192 = arith.subf %add3A_190, %slice3A_191 : vector<512x128xf32>
    %lt3A_193 = arith.cmpf olt, %sub3A_192, %min3A_181 : vector<512x128xf32>
    %min3A_194 = arith.minimumf %min3A_181, %sub3A_192 : vector<512x128xf32>
    %jit3A_195 = arith.constant 1.400000e+01 : f32
    %broadcast_in_dim3A_196 = vector.broadcast %jit3A_195 : f32 to vector<512x128xf32>
    %select_n3A_197 = arith.select %lt3A_193, %broadcast_in_dim3A_196, %select_n3A_184 : vector<512x128xi1>, vector<512x128xf32>
    %get3A_198 = arith.constant 1920 : index
    %get3A_199 = vector.load %arg4[%get3A_198] : memref<4096xf32, #tpu.memory_space<vmem>>, vector<128xf32>
    %broadcast_in_dim3A_200 = vector.shape_cast %get3A_199 : vector<128xf32> to vector<1x128xf32>
    %add3A_201 = vector.broadcast %broadcast_in_dim3A : vector<512x1xf32> to vector<512x128xf32>
    %add3A_202 = vector.broadcast %broadcast_in_dim3A_200 : vector<1x128xf32> to vector<512x128xf32>
    %add3A_203 = arith.addf %add3A_201, %add3A_202 : vector<512x128xf32>
    %slice3A_204 = vector.extract_strided_slice %dot_general3A_12 {offsets = [0, 1920], sizes = [512, 128], strides = [1, 1]} : vector<512x4096xf32> to vector<512x128xf32>
    %sub3A_205 = arith.subf %add3A_203, %slice3A_204 : vector<512x128xf32>
    %lt3A_206 = arith.cmpf olt, %sub3A_205, %min3A_194 : vector<512x128xf32>
    %min3A_207 = arith.minimumf %min3A_194, %sub3A_205 : vector<512x128xf32>
    %jit3A_208 = arith.constant 1.500000e+01 : f32
    %broadcast_in_dim3A_209 = vector.broadcast %jit3A_208 : f32 to vector<512x128xf32>
    %select_n3A_210 = arith.select %lt3A_206, %broadcast_in_dim3A_209, %select_n3A_197 : vector<512x128xi1>, vector<512x128xf32>
    %get3A_211 = arith.constant 2048 : index
    %get3A_212 = vector.load %arg4[%get3A_211] : memref<4096xf32, #tpu.memory_space<vmem>>, vector<128xf32>
    %broadcast_in_dim3A_213 = vector.shape_cast %get3A_212 : vector<128xf32> to vector<1x128xf32>
    %add3A_214 = vector.broadcast %broadcast_in_dim3A : vector<512x1xf32> to vector<512x128xf32>
    %add3A_215 = vector.broadcast %broadcast_in_dim3A_213 : vector<1x128xf32> to vector<512x128xf32>
    %add3A_216 = arith.addf %add3A_214, %add3A_215 : vector<512x128xf32>
    %slice3A_217 = vector.extract_strided_slice %dot_general3A_12 {offsets = [0, 2048], sizes = [512, 128], strides = [1, 1]} : vector<512x4096xf32> to vector<512x128xf32>
    %sub3A_218 = arith.subf %add3A_216, %slice3A_217 : vector<512x128xf32>
    %lt3A_219 = arith.cmpf olt, %sub3A_218, %min3A_207 : vector<512x128xf32>
    %min3A_220 = arith.minimumf %min3A_207, %sub3A_218 : vector<512x128xf32>
    %jit3A_221 = arith.constant 1.600000e+01 : f32
    %broadcast_in_dim3A_222 = vector.broadcast %jit3A_221 : f32 to vector<512x128xf32>
    %select_n3A_223 = arith.select %lt3A_219, %broadcast_in_dim3A_222, %select_n3A_210 : vector<512x128xi1>, vector<512x128xf32>
    %get3A_224 = arith.constant 2176 : index
    %get3A_225 = vector.load %arg4[%get3A_224] : memref<4096xf32, #tpu.memory_space<vmem>>, vector<128xf32>
    %broadcast_in_dim3A_226 = vector.shape_cast %get3A_225 : vector<128xf32> to vector<1x128xf32>
    %add3A_227 = vector.broadcast %broadcast_in_dim3A : vector<512x1xf32> to vector<512x128xf32>
    %add3A_228 = vector.broadcast %broadcast_in_dim3A_226 : vector<1x128xf32> to vector<512x128xf32>
    %add3A_229 = arith.addf %add3A_227, %add3A_228 : vector<512x128xf32>
    %slice3A_230 = vector.extract_strided_slice %dot_general3A_12 {offsets = [0, 2176], sizes = [512, 128], strides = [1, 1]} : vector<512x4096xf32> to vector<512x128xf32>
    %sub3A_231 = arith.subf %add3A_229, %slice3A_230 : vector<512x128xf32>
    %lt3A_232 = arith.cmpf olt, %sub3A_231, %min3A_220 : vector<512x128xf32>
    %min3A_233 = arith.minimumf %min3A_220, %sub3A_231 : vector<512x128xf32>
    %jit3A_234 = arith.constant 1.700000e+01 : f32
    %broadcast_in_dim3A_235 = vector.broadcast %jit3A_234 : f32 to vector<512x128xf32>
    %select_n3A_236 = arith.select %lt3A_232, %broadcast_in_dim3A_235, %select_n3A_223 : vector<512x128xi1>, vector<512x128xf32>
    %get3A_237 = arith.constant 2304 : index
    %get3A_238 = vector.load %arg4[%get3A_237] : memref<4096xf32, #tpu.memory_space<vmem>>, vector<128xf32>
    %broadcast_in_dim3A_239 = vector.shape_cast %get3A_238 : vector<128xf32> to vector<1x128xf32>
    %add3A_240 = vector.broadcast %broadcast_in_dim3A : vector<512x1xf32> to vector<512x128xf32>
    %add3A_241 = vector.broadcast %broadcast_in_dim3A_239 : vector<1x128xf32> to vector<512x128xf32>
    %add3A_242 = arith.addf %add3A_240, %add3A_241 : vector<512x128xf32>
    %slice3A_243 = vector.extract_strided_slice %dot_general3A_12 {offsets = [0, 2304], sizes = [512, 128], strides = [1, 1]} : vector<512x4096xf32> to vector<512x128xf32>
    %sub3A_244 = arith.subf %add3A_242, %slice3A_243 : vector<512x128xf32>
    %lt3A_245 = arith.cmpf olt, %sub3A_244, %min3A_233 : vector<512x128xf32>
    %min3A_246 = arith.minimumf %min3A_233, %sub3A_244 : vector<512x128xf32>
    %jit3A_247 = arith.constant 1.800000e+01 : f32
    %broadcast_in_dim3A_248 = vector.broadcast %jit3A_247 : f32 to vector<512x128xf32>
    %select_n3A_249 = arith.select %lt3A_245, %broadcast_in_dim3A_248, %select_n3A_236 : vector<512x128xi1>, vector<512x128xf32>
    %get3A_250 = arith.constant 2432 : index
    %get3A_251 = vector.load %arg4[%get3A_250] : memref<4096xf32, #tpu.memory_space<vmem>>, vector<128xf32>
    %broadcast_in_dim3A_252 = vector.shape_cast %get3A_251 : vector<128xf32> to vector<1x128xf32>
    %add3A_253 = vector.broadcast %broadcast_in_dim3A : vector<512x1xf32> to vector<512x128xf32>
    %add3A_254 = vector.broadcast %broadcast_in_dim3A_252 : vector<1x128xf32> to vector<512x128xf32>
    %add3A_255 = arith.addf %add3A_253, %add3A_254 : vector<512x128xf32>
    %slice3A_256 = vector.extract_strided_slice %dot_general3A_12 {offsets = [0, 2432], sizes = [512, 128], strides = [1, 1]} : vector<512x4096xf32> to vector<512x128xf32>
    %sub3A_257 = arith.subf %add3A_255, %slice3A_256 : vector<512x128xf32>
    %lt3A_258 = arith.cmpf olt, %sub3A_257, %min3A_246 : vector<512x128xf32>
    %min3A_259 = arith.minimumf %min3A_246, %sub3A_257 : vector<512x128xf32>
    %jit3A_260 = arith.constant 1.900000e+01 : f32
    %broadcast_in_dim3A_261 = vector.broadcast %jit3A_260 : f32 to vector<512x128xf32>
    %select_n3A_262 = arith.select %lt3A_258, %broadcast_in_dim3A_261, %select_n3A_249 : vector<512x128xi1>, vector<512x128xf32>
    %get3A_263 = arith.constant 2560 : index
    %get3A_264 = vector.load %arg4[%get3A_263] : memref<4096xf32, #tpu.memory_space<vmem>>, vector<128xf32>
    %broadcast_in_dim3A_265 = vector.shape_cast %get3A_264 : vector<128xf32> to vector<1x128xf32>
    %add3A_266 = vector.broadcast %broadcast_in_dim3A : vector<512x1xf32> to vector<512x128xf32>
    %add3A_267 = vector.broadcast %broadcast_in_dim3A_265 : vector<1x128xf32> to vector<512x128xf32>
    %add3A_268 = arith.addf %add3A_266, %add3A_267 : vector<512x128xf32>
    %slice3A_269 = vector.extract_strided_slice %dot_general3A_12 {offsets = [0, 2560], sizes = [512, 128], strides = [1, 1]} : vector<512x4096xf32> to vector<512x128xf32>
    %sub3A_270 = arith.subf %add3A_268, %slice3A_269 : vector<512x128xf32>
    %lt3A_271 = arith.cmpf olt, %sub3A_270, %min3A_259 : vector<512x128xf32>
    %min3A_272 = arith.minimumf %min3A_259, %sub3A_270 : vector<512x128xf32>
    %jit3A_273 = arith.constant 2.000000e+01 : f32
    %broadcast_in_dim3A_274 = vector.broadcast %jit3A_273 : f32 to vector<512x128xf32>
    %select_n3A_275 = arith.select %lt3A_271, %broadcast_in_dim3A_274, %select_n3A_262 : vector<512x128xi1>, vector<512x128xf32>
    %get3A_276 = arith.constant 2688 : index
    %get3A_277 = vector.load %arg4[%get3A_276] : memref<4096xf32, #tpu.memory_space<vmem>>, vector<128xf32>
    %broadcast_in_dim3A_278 = vector.shape_cast %get3A_277 : vector<128xf32> to vector<1x128xf32>
    %add3A_279 = vector.broadcast %broadcast_in_dim3A : vector<512x1xf32> to vector<512x128xf32>
    %add3A_280 = vector.broadcast %broadcast_in_dim3A_278 : vector<1x128xf32> to vector<512x128xf32>
    %add3A_281 = arith.addf %add3A_279, %add3A_280 : vector<512x128xf32>
    %slice3A_282 = vector.extract_strided_slice %dot_general3A_12 {offsets = [0, 2688], sizes = [512, 128], strides = [1, 1]} : vector<512x4096xf32> to vector<512x128xf32>
    %sub3A_283 = arith.subf %add3A_281, %slice3A_282 : vector<512x128xf32>
    %lt3A_284 = arith.cmpf olt, %sub3A_283, %min3A_272 : vector<512x128xf32>
    %min3A_285 = arith.minimumf %min3A_272, %sub3A_283 : vector<512x128xf32>
    %jit3A_286 = arith.constant 2.100000e+01 : f32
    %broadcast_in_dim3A_287 = vector.broadcast %jit3A_286 : f32 to vector<512x128xf32>
    %select_n3A_288 = arith.select %lt3A_284, %broadcast_in_dim3A_287, %select_n3A_275 : vector<512x128xi1>, vector<512x128xf32>
    %get3A_289 = arith.constant 2816 : index
    %get3A_290 = vector.load %arg4[%get3A_289] : memref<4096xf32, #tpu.memory_space<vmem>>, vector<128xf32>
    %broadcast_in_dim3A_291 = vector.shape_cast %get3A_290 : vector<128xf32> to vector<1x128xf32>
    %add3A_292 = vector.broadcast %broadcast_in_dim3A : vector<512x1xf32> to vector<512x128xf32>
    %add3A_293 = vector.broadcast %broadcast_in_dim3A_291 : vector<1x128xf32> to vector<512x128xf32>
    %add3A_294 = arith.addf %add3A_292, %add3A_293 : vector<512x128xf32>
    %slice3A_295 = vector.extract_strided_slice %dot_general3A_12 {offsets = [0, 2816], sizes = [512, 128], strides = [1, 1]} : vector<512x4096xf32> to vector<512x128xf32>
    %sub3A_296 = arith.subf %add3A_294, %slice3A_295 : vector<512x128xf32>
    %lt3A_297 = arith.cmpf olt, %sub3A_296, %min3A_285 : vector<512x128xf32>
    %min3A_298 = arith.minimumf %min3A_285, %sub3A_296 : vector<512x128xf32>
    %jit3A_299 = arith.constant 2.200000e+01 : f32
    %broadcast_in_dim3A_300 = vector.broadcast %jit3A_299 : f32 to vector<512x128xf32>
    %select_n3A_301 = arith.select %lt3A_297, %broadcast_in_dim3A_300, %select_n3A_288 : vector<512x128xi1>, vector<512x128xf32>
    %get3A_302 = arith.constant 2944 : index
    %get3A_303 = vector.load %arg4[%get3A_302] : memref<4096xf32, #tpu.memory_space<vmem>>, vector<128xf32>
    %broadcast_in_dim3A_304 = vector.shape_cast %get3A_303 : vector<128xf32> to vector<1x128xf32>
    %add3A_305 = vector.broadcast %broadcast_in_dim3A : vector<512x1xf32> to vector<512x128xf32>
    %add3A_306 = vector.broadcast %broadcast_in_dim3A_304 : vector<1x128xf32> to vector<512x128xf32>
    %add3A_307 = arith.addf %add3A_305, %add3A_306 : vector<512x128xf32>
    %slice3A_308 = vector.extract_strided_slice %dot_general3A_12 {offsets = [0, 2944], sizes = [512, 128], strides = [1, 1]} : vector<512x4096xf32> to vector<512x128xf32>
    %sub3A_309 = arith.subf %add3A_307, %slice3A_308 : vector<512x128xf32>
    %lt3A_310 = arith.cmpf olt, %sub3A_309, %min3A_298 : vector<512x128xf32>
    %min3A_311 = arith.minimumf %min3A_298, %sub3A_309 : vector<512x128xf32>
    %jit3A_312 = arith.constant 2.300000e+01 : f32
    %broadcast_in_dim3A_313 = vector.broadcast %jit3A_312 : f32 to vector<512x128xf32>
    %select_n3A_314 = arith.select %lt3A_310, %broadcast_in_dim3A_313, %select_n3A_301 : vector<512x128xi1>, vector<512x128xf32>
    %get3A_315 = arith.constant 3072 : index
    %get3A_316 = vector.load %arg4[%get3A_315] : memref<4096xf32, #tpu.memory_space<vmem>>, vector<128xf32>
    %broadcast_in_dim3A_317 = vector.shape_cast %get3A_316 : vector<128xf32> to vector<1x128xf32>
    %add3A_318 = vector.broadcast %broadcast_in_dim3A : vector<512x1xf32> to vector<512x128xf32>
    %add3A_319 = vector.broadcast %broadcast_in_dim3A_317 : vector<1x128xf32> to vector<512x128xf32>
    %add3A_320 = arith.addf %add3A_318, %add3A_319 : vector<512x128xf32>
    %slice3A_321 = vector.extract_strided_slice %dot_general3A_12 {offsets = [0, 3072], sizes = [512, 128], strides = [1, 1]} : vector<512x4096xf32> to vector<512x128xf32>
    %sub3A_322 = arith.subf %add3A_320, %slice3A_321 : vector<512x128xf32>
    %lt3A_323 = arith.cmpf olt, %sub3A_322, %min3A_311 : vector<512x128xf32>
    %min3A_324 = arith.minimumf %min3A_311, %sub3A_322 : vector<512x128xf32>
    %jit3A_325 = arith.constant 2.400000e+01 : f32
    %broadcast_in_dim3A_326 = vector.broadcast %jit3A_325 : f32 to vector<512x128xf32>
    %select_n3A_327 = arith.select %lt3A_323, %broadcast_in_dim3A_326, %select_n3A_314 : vector<512x128xi1>, vector<512x128xf32>
    %get3A_328 = arith.constant 3200 : index
    %get3A_329 = vector.load %arg4[%get3A_328] : memref<4096xf32, #tpu.memory_space<vmem>>, vector<128xf32>
    %broadcast_in_dim3A_330 = vector.shape_cast %get3A_329 : vector<128xf32> to vector<1x128xf32>
    %add3A_331 = vector.broadcast %broadcast_in_dim3A : vector<512x1xf32> to vector<512x128xf32>
    %add3A_332 = vector.broadcast %broadcast_in_dim3A_330 : vector<1x128xf32> to vector<512x128xf32>
    %add3A_333 = arith.addf %add3A_331, %add3A_332 : vector<512x128xf32>
    %slice3A_334 = vector.extract_strided_slice %dot_general3A_12 {offsets = [0, 3200], sizes = [512, 128], strides = [1, 1]} : vector<512x4096xf32> to vector<512x128xf32>
    %sub3A_335 = arith.subf %add3A_333, %slice3A_334 : vector<512x128xf32>
    %lt3A_336 = arith.cmpf olt, %sub3A_335, %min3A_324 : vector<512x128xf32>
    %min3A_337 = arith.minimumf %min3A_324, %sub3A_335 : vector<512x128xf32>
    %jit3A_338 = arith.constant 2.500000e+01 : f32
    %broadcast_in_dim3A_339 = vector.broadcast %jit3A_338 : f32 to vector<512x128xf32>
    %select_n3A_340 = arith.select %lt3A_336, %broadcast_in_dim3A_339, %select_n3A_327 : vector<512x128xi1>, vector<512x128xf32>
    %get3A_341 = arith.constant 3328 : index
    %get3A_342 = vector.load %arg4[%get3A_341] : memref<4096xf32, #tpu.memory_space<vmem>>, vector<128xf32>
    %broadcast_in_dim3A_343 = vector.shape_cast %get3A_342 : vector<128xf32> to vector<1x128xf32>
    %add3A_344 = vector.broadcast %broadcast_in_dim3A : vector<512x1xf32> to vector<512x128xf32>
    %add3A_345 = vector.broadcast %broadcast_in_dim3A_343 : vector<1x128xf32> to vector<512x128xf32>
    %add3A_346 = arith.addf %add3A_344, %add3A_345 : vector<512x128xf32>
    %slice3A_347 = vector.extract_strided_slice %dot_general3A_12 {offsets = [0, 3328], sizes = [512, 128], strides = [1, 1]} : vector<512x4096xf32> to vector<512x128xf32>
    %sub3A_348 = arith.subf %add3A_346, %slice3A_347 : vector<512x128xf32>
    %lt3A_349 = arith.cmpf olt, %sub3A_348, %min3A_337 : vector<512x128xf32>
    %min3A_350 = arith.minimumf %min3A_337, %sub3A_348 : vector<512x128xf32>
    %jit3A_351 = arith.constant 2.600000e+01 : f32
    %broadcast_in_dim3A_352 = vector.broadcast %jit3A_351 : f32 to vector<512x128xf32>
    %select_n3A_353 = arith.select %lt3A_349, %broadcast_in_dim3A_352, %select_n3A_340 : vector<512x128xi1>, vector<512x128xf32>
    %get3A_354 = arith.constant 3456 : index
    %get3A_355 = vector.load %arg4[%get3A_354] : memref<4096xf32, #tpu.memory_space<vmem>>, vector<128xf32>
    %broadcast_in_dim3A_356 = vector.shape_cast %get3A_355 : vector<128xf32> to vector<1x128xf32>
    %add3A_357 = vector.broadcast %broadcast_in_dim3A : vector<512x1xf32> to vector<512x128xf32>
    %add3A_358 = vector.broadcast %broadcast_in_dim3A_356 : vector<1x128xf32> to vector<512x128xf32>
    %add3A_359 = arith.addf %add3A_357, %add3A_358 : vector<512x128xf32>
    %slice3A_360 = vector.extract_strided_slice %dot_general3A_12 {offsets = [0, 3456], sizes = [512, 128], strides = [1, 1]} : vector<512x4096xf32> to vector<512x128xf32>
    %sub3A_361 = arith.subf %add3A_359, %slice3A_360 : vector<512x128xf32>
    %lt3A_362 = arith.cmpf olt, %sub3A_361, %min3A_350 : vector<512x128xf32>
    %min3A_363 = arith.minimumf %min3A_350, %sub3A_361 : vector<512x128xf32>
    %jit3A_364 = arith.constant 2.700000e+01 : f32
    %broadcast_in_dim3A_365 = vector.broadcast %jit3A_364 : f32 to vector<512x128xf32>
    %select_n3A_366 = arith.select %lt3A_362, %broadcast_in_dim3A_365, %select_n3A_353 : vector<512x128xi1>, vector<512x128xf32>
    %get3A_367 = arith.constant 3584 : index
    %get3A_368 = vector.load %arg4[%get3A_367] : memref<4096xf32, #tpu.memory_space<vmem>>, vector<128xf32>
    %broadcast_in_dim3A_369 = vector.shape_cast %get3A_368 : vector<128xf32> to vector<1x128xf32>
    %add3A_370 = vector.broadcast %broadcast_in_dim3A : vector<512x1xf32> to vector<512x128xf32>
    %add3A_371 = vector.broadcast %broadcast_in_dim3A_369 : vector<1x128xf32> to vector<512x128xf32>
    %add3A_372 = arith.addf %add3A_370, %add3A_371 : vector<512x128xf32>
    %slice3A_373 = vector.extract_strided_slice %dot_general3A_12 {offsets = [0, 3584], sizes = [512, 128], strides = [1, 1]} : vector<512x4096xf32> to vector<512x128xf32>
    %sub3A_374 = arith.subf %add3A_372, %slice3A_373 : vector<512x128xf32>
    %lt3A_375 = arith.cmpf olt, %sub3A_374, %min3A_363 : vector<512x128xf32>
    %min3A_376 = arith.minimumf %min3A_363, %sub3A_374 : vector<512x128xf32>
    %jit3A_377 = arith.constant 2.800000e+01 : f32
    %broadcast_in_dim3A_378 = vector.broadcast %jit3A_377 : f32 to vector<512x128xf32>
    %select_n3A_379 = arith.select %lt3A_375, %broadcast_in_dim3A_378, %select_n3A_366 : vector<512x128xi1>, vector<512x128xf32>
    %get3A_380 = arith.constant 3712 : index
    %get3A_381 = vector.load %arg4[%get3A_380] : memref<4096xf32, #tpu.memory_space<vmem>>, vector<128xf32>
    %broadcast_in_dim3A_382 = vector.shape_cast %get3A_381 : vector<128xf32> to vector<1x128xf32>
    %add3A_383 = vector.broadcast %broadcast_in_dim3A : vector<512x1xf32> to vector<512x128xf32>
    %add3A_384 = vector.broadcast %broadcast_in_dim3A_382 : vector<1x128xf32> to vector<512x128xf32>
    %add3A_385 = arith.addf %add3A_383, %add3A_384 : vector<512x128xf32>
    %slice3A_386 = vector.extract_strided_slice %dot_general3A_12 {offsets = [0, 3712], sizes = [512, 128], strides = [1, 1]} : vector<512x4096xf32> to vector<512x128xf32>
    %sub3A_387 = arith.subf %add3A_385, %slice3A_386 : vector<512x128xf32>
    %lt3A_388 = arith.cmpf olt, %sub3A_387, %min3A_376 : vector<512x128xf32>
    %min3A_389 = arith.minimumf %min3A_376, %sub3A_387 : vector<512x128xf32>
    %jit3A_390 = arith.constant 2.900000e+01 : f32
    %broadcast_in_dim3A_391 = vector.broadcast %jit3A_390 : f32 to vector<512x128xf32>
    %select_n3A_392 = arith.select %lt3A_388, %broadcast_in_dim3A_391, %select_n3A_379 : vector<512x128xi1>, vector<512x128xf32>
    %get3A_393 = arith.constant 3840 : index
    %get3A_394 = vector.load %arg4[%get3A_393] : memref<4096xf32, #tpu.memory_space<vmem>>, vector<128xf32>
    %broadcast_in_dim3A_395 = vector.shape_cast %get3A_394 : vector<128xf32> to vector<1x128xf32>
    %add3A_396 = vector.broadcast %broadcast_in_dim3A : vector<512x1xf32> to vector<512x128xf32>
    %add3A_397 = vector.broadcast %broadcast_in_dim3A_395 : vector<1x128xf32> to vector<512x128xf32>
    %add3A_398 = arith.addf %add3A_396, %add3A_397 : vector<512x128xf32>
    %slice3A_399 = vector.extract_strided_slice %dot_general3A_12 {offsets = [0, 3840], sizes = [512, 128], strides = [1, 1]} : vector<512x4096xf32> to vector<512x128xf32>
    %sub3A_400 = arith.subf %add3A_398, %slice3A_399 : vector<512x128xf32>
    %lt3A_401 = arith.cmpf olt, %sub3A_400, %min3A_389 : vector<512x128xf32>
    %min3A_402 = arith.minimumf %min3A_389, %sub3A_400 : vector<512x128xf32>
    %jit3A_403 = arith.constant 3.000000e+01 : f32
    %broadcast_in_dim3A_404 = vector.broadcast %jit3A_403 : f32 to vector<512x128xf32>
    %select_n3A_405 = arith.select %lt3A_401, %broadcast_in_dim3A_404, %select_n3A_392 : vector<512x128xi1>, vector<512x128xf32>
    %get3A_406 = arith.constant 3968 : index
    %get3A_407 = vector.load %arg4[%get3A_406] : memref<4096xf32, #tpu.memory_space<vmem>>, vector<128xf32>
    %broadcast_in_dim3A_408 = vector.shape_cast %get3A_407 : vector<128xf32> to vector<1x128xf32>
    %add3A_409 = vector.broadcast %broadcast_in_dim3A : vector<512x1xf32> to vector<512x128xf32>
    %add3A_410 = vector.broadcast %broadcast_in_dim3A_408 : vector<1x128xf32> to vector<512x128xf32>
    %add3A_411 = arith.addf %add3A_409, %add3A_410 : vector<512x128xf32>
    %slice3A_412 = vector.extract_strided_slice %dot_general3A_12 {offsets = [0, 3968], sizes = [512, 128], strides = [1, 1]} : vector<512x4096xf32> to vector<512x128xf32>
    %sub3A_413 = arith.subf %add3A_411, %slice3A_412 : vector<512x128xf32>
    %lt3A_414 = arith.cmpf olt, %sub3A_413, %min3A_402 : vector<512x128xf32>
    %min3A_415 = arith.minimumf %min3A_402, %sub3A_413 : vector<512x128xf32>
    %jit3A_416 = arith.constant 3.100000e+01 : f32
    %broadcast_in_dim3A_417 = vector.broadcast %jit3A_416 : f32 to vector<512x128xf32>
    %select_n3A_418 = arith.select %lt3A_414, %broadcast_in_dim3A_417, %select_n3A_405 : vector<512x128xi1>, vector<512x128xf32>
    %reduce_min3A = arith.constant dense<0x7F800000> : vector<512xf32>
    %reduce_min3A_419 = vector.multi_reduction <minimumf>, %min3A_415, %reduce_min3A [1] : vector<512x128xf32> to vector<512xf32>
    %broadcast_in_dim3A_420 = vector.shape_cast %reduce_min3A_419 : vector<512xf32> to vector<512x1xf32>
    %iota3A = tpu.iota {dimensions = array<i32: 1>} : vector<512x128xi32>
    %convert_element_type3A_421 = arith.sitofp %iota3A : vector<512x128xi32> to vector<512x128xf32>
    %mul3A = arith.constant 1.280000e+02 : f32
    %mul3A_422 = vector.broadcast %mul3A : f32 to vector<512x128xf32>
    %mul3A_423 = arith.mulf %select_n3A_418, %mul3A_422 : vector<512x128xf32>
    %add3A_424 = arith.addf %mul3A_423, %convert_element_type3A_421 : vector<512x128xf32>
    %eq3A_425 = vector.broadcast %broadcast_in_dim3A_420 : vector<512x1xf32> to vector<512x128xf32>
    %eq3A_426 = arith.cmpf oeq, %min3A_415, %eq3A_425 : vector<512x128xf32>
    %jit3A_427 = arith.constant 4.096000e+03 : f32
    %broadcast_in_dim3A_428 = vector.broadcast %jit3A_427 : f32 to vector<512x128xf32>
    %select_n3A_429 = arith.select %eq3A_426, %add3A_424, %broadcast_in_dim3A_428 : vector<512x128xi1>, vector<512x128xf32>
    %reduce_min3A_430 = arith.constant dense<0x7F800000> : vector<512xf32>
    %reduce_min3A_431 = vector.multi_reduction <minimumf>, %select_n3A_429, %reduce_min3A_430 [1] : vector<512x128xf32> to vector<512xf32>
    %convert_element_type3A_432 = arith.fptosi %reduce_min3A_431 : vector<512xf32> to vector<512xi32>
    %swap3A = arith.constant 0 : index
    %swap3A_433 = vector.load %arg5[%swap3A] : memref<512xi32, #tpu.memory_space<vmem>>, vector<512xi32>
    tpu.vector_store %arg5[%swap3A], %convert_element_type3A_432 {strides = array<i32>} : memref<512xi32, #tpu.memory_space<vmem>>, vector<512xi32>,
    %eq3A_434 = arith.constant 0 : i32
    %eq3A_435 = arith.cmpi eq, %arg0, %eq3A_434 : i32
    %convert_element_type3A_436 = arith.extui %eq3A_435 : i1 to i32
    %cond3A_437 = arith.constant 0 : i32
    %cond3A_438 = arith.cmpi ne, %convert_element_type3A_436, %cond3A_437 : i32
    scf.if %cond3A_438 {
      %swap3A_450 = arith.constant 0.000000e+00 : f32
      %swap3A_451 = arith.constant 0 : index
      %swap3A_452 = arith.constant 0 : index
      %swap3A_453 = memref.load %arg6[%swap3A_451, %swap3A_452] : memref<1x1xf32, #tpu.memory_space<smem>>
      memref.store %swap3A_450, %arg6[%swap3A_451, %swap3A_452] : memref<1x1xf32, #tpu.memory_space<smem>>
    } else {
    }
    %get3A_439 = arith.constant 0 : index
    %get3A_440 = arith.constant 0 : index
    %get3A_441 = memref.load %arg6[%get3A_439, %get3A_440] : memref<1x1xf32, #tpu.memory_space<smem>>
    %reduce_sum3A = vector.shape_cast %broadcast_in_dim3A_420 : vector<512x1xf32> to vector<1x512x1xf32>
    %reduce_sum3A_442 = arith.constant dense<0.000000e+00> : vector<1xf32>
    %reduce_sum3A_443 = vector.multi_reduction <add>, %reduce_sum3A, %reduce_sum3A_442 [1, 2] : vector<1x512x1xf32> to vector<1xf32>
    %reduce_sum3A_444 = vector.shape_cast %reduce_sum3A_443 : vector<1xf32> to vector<1x1x1xf32>
    %reduce_sum3A_445 = vector.extract %reduce_sum3A_444[0, 0, 0] : f32 from vector<1x1x1xf32>
    %add3A_446 = arith.addf %get3A_441, %reduce_sum3A_445 : f32
    %swap3A_447 = arith.constant 0 : index
    %swap3A_448 = arith.constant 0 : index
    %swap3A_449 = memref.load %arg6[%swap3A_447, %swap3A_448] : memref<1x1xf32, #tpu.memory_space<smem>>
    memref.store %add3A_446, %arg6[%swap3A_447, %swap3A_448] : memref<1x1xf32, #tpu.memory_space<smem>>
    return
  }
  func.func @transform_0(%arg0: i32) -> (i32, i32) {
    %add3A = arith.constant 24 : i32
    %add3A_0 = arith.addi %add3A, %arg0 : i32
    %c0_i32 = arith.constant 0 : i32
    %c0_i32_1 = arith.constant 0 : i32
    return %add3A_0, %c0_i32 : i32, i32
  }
  func.func @transform_1(%arg0: i32) -> (i32, i32) {
    %c0_i32 = arith.constant 0 : i32
    %c0_i32_0 = arith.constant 0 : i32
    %c0_i32_1 = arith.constant 0 : i32
    return %c0_i32, %c0_i32_0 : i32, i32
  }
  func.func @transform_2(%arg0: i32) -> (i32, i32, i32) {
    %add3A = arith.constant 24 : i32
    %add3A_0 = arith.addi %add3A, %arg0 : i32
    %c0_i32 = arith.constant 0 : i32
    %c0_i32_1 = arith.constant 0 : i32
    %c0_i32_2 = arith.constant 0 : i32
    return %add3A_0, %c0_i32, %c0_i32_1 : i32, i32, i32
  }
  func.func @transform_3(%arg0: i32) -> i32 {
    %c0_i32 = arith.constant 0 : i32
    %c0_i32_0 = arith.constant 0 : i32
    return %c0_i32 : i32
  }
  func.func @transform_4(%arg0: i32) -> i32 {
    %c0_i32 = arith.constant 0 : i32
    return %arg0 : i32
  }
  func.func @transform_5(%arg0: i32) -> (i32, i32) {
    %c0_i32 = arith.constant 0 : i32
    %c0_i32_0 = arith.constant 0 : i32
    %c0_i32_1 = arith.constant 0 : i32
    return %c0_i32, %c0_i32_0 : i32, i32
  }
}

</mosaic_0001>

<sc_bundles>
// kernel: kernel.6.cloned.1.call-start
scs
__scs_entry_jumppad:
0x0: {  	(pc) =	sbr.rel $0x88, $3  }
0x1: {  	(tag) =	ssettag $0x0;
	lr =	simm.s32 $0x1  }
0x2: {  	[smem:$0x3F9F] =	sst lr;
	_ =	strace $0xD0000000  }
0x3: {  	_ = 	snop  }
0x4: {  	_ = 	snop  }
0x5: {  	_ = 	snop  }
0x6: {  	_ = 	snop  }
0x7: {  	_ = 	snop  }
__scs_overlays_trampoline_lowered:
0x8: {  	[smem:$0x3FAE] =	sst s0  }
0x9: {  	[smem:$0x3FAF] =	sst s1  }
0xa: {  	[smem:$0x3FB0] =	sst s2  }
0xb: {  	[smem:$0x3FB1] =	sst s3  }
0xc: {  	[smem:$0x3FB2] =	sst s4  }
0xd: {  	[smem:$0x3FB3] =	sst s5  }
0xe: {  	[smem:$0x3FB4] =	sst s6  }
0xf: {  	[smem:$0x3FB5] =	sst s7  }
0x10: {  	[smem:$0x3FB6] =	sst s8  }
0x11: {  	[smem:$0x3FB7] =	sst s9;
	s0 =	simm.s32 @!p0 $0x0  }
0x12: {  	s1 =	sld [smem:$0x3F9D];
	s0 =	simm.s32 @p0 $0x1  }
0x13: {  	[smem:$0x3FB8] =	sst s0;
	s0 =	simm.s32 @!p1 $0x0  }
0x14: {  	s2 =	sld [smem:$0x3F9C];
	s0 =	simm.s32 @p1 $0x1  }
0x15: {  	[smem:$0x3FB9] =	sst s0;
	s0 =	simm.s32 @!p2 $0x0  }
0x16: {  	s3 =	sld [smem:$0x3FDB];
	s0 =	simm.s32 @p2 $0x1  }
0x17: {  	s4 =	simm.s32 $0x1BF5;
	[smem:$0x3FBB] =	sst s0  }
0x18: {  	s0 =	sld [smem:$0x3F9E];
	_ =	swait.ge [sflag:s4], $0x0  }
0x19: {  	s7 =	sld [smem:$0x3F9F]  }
0x1a: {  	s8 =	sadd.s32 $0xFFFFE003, lr  }
0x1b: {  	s9 =	sadd.s32 $0xFFFFFEF7, lr;
	s5 =	simm.s32 $0xFFFFFFFF;
	p2 =	slt.u32 s8, $0xFFFFF086  }
0x1c: {  	p1 =	slt.u32 s9, $0xF7A;
	s5 =	simm.s32 @!p2 $0x0  }
0x1d: {  	s5 =	simm.s32 @p1 $0x1;
	p0 =	seq.s32 s7, s2  }
0x1e: {  	s7 =	smul.u32 @!p0 $0xF7A, s2;
	p2 =	seq.s32 @!p0 s5, $0x0  }
0x1f: {  	s9 =	smul.u32 $0xF7A, s1;
	s8 =	simm.s32 @!p0 $0x1BF5;
	p2 =	por !p2, p0  }
0x20: {  	[sflag:s8] =	ssyncset.s32 @!p0 $0xFFFFF086;
	s6 =	sadd.s32 @!p0 s3, s7;
	s7 =	simm.s32 @!p0 $0x108  }
0x21: {  	s3 =	sadd.s32 s3, s9;
	s6 =	sadd.s32 @!p0 $0x88, s6;
	s7 =	simm.s32 @p2 $0x1082  }
0x22: {  	[simem:s7], [sflag:s8] =	dma.local @!p0 [hbm:s6], $0xF7A  }
0x23: {  	s9 =	sor.u32 $0xD0000000, s2;
	s6 =	simm.s32 $0x108;
	_ =	swait.ge @!p0 [sflag:s8], $0x0  }
0x24: {  	s3 =	sadd.s32 $0x88, s3;
	s6 =	simm.s32 @!p1 $0x1082;
	[sflag:s4] =	ssyncset.s32 $0xFFFFF086  }
0x25: {  	[simem:s6], [sflag:s4] =	dma.local [hbm:s3], $0xF7A  }
0x26: {  	[smem:$0x3F9F] =	sst s1;
	(tag) =	ssettag s2;
	_ =	strace s9  }
0x27: {  	s1 =	sld [smem:$0x3FAF]  }
0x28: {  	s2 =	sld [smem:$0x3FB0]  }
0x29: {  	s4 =	sld [smem:$0x3FB2]  }
0x2a: {  	p0 =	seq.s32 s5, $0x0;
	s5 =	sld [smem:$0x3FB3]  }
0x2b: {  	s6 =	sld [smem:$0x3FB4]  }
0x2c: {  	s7 =	sld [smem:$0x3FB5]  }
0x2d: {  	s3 =	simm.s32 $0x108;
	s8 =	sld [smem:$0x3FB6]  }
0x2e: {  	s3 =	simm.s32 @!p0 $0x1082;
	s9 =	sld [smem:$0x3FB7]  }
0x2f: {  	lr =	sadd.s32 s0, s3;
	s0 =	sld [smem:$0x3FAE]  }
0x30: {  	s3 =	sld [smem:$0x3FB1]  }
0x31: {  	[smem:$0x3FBA] =	sst s10  }
0x32: {  	s10 =	sld [smem:$0x3FB8];
	_ =	sdelay $0x3  }
0x33: {  	p0 =	seq.s32 s10, $0x1;
	s10 =	sld [smem:$0x3FBA];
	_ =	sdelay $0x3  }
0x34: {  	[smem:$0x3FBA] =	sst s10  }
0x35: {  	s10 =	sld [smem:$0x3FB9];
	_ =	sdelay $0x3  }
0x36: {  	p1 =	seq.s32 s10, $0x1;
	s10 =	sld [smem:$0x3FBA];
	_ =	sdelay $0x3  }
0x37: {  	[smem:$0x3FBA] =	sst s10  }
0x38: {  	s10 =	sld [smem:$0x3FBB]  }
0x39: {  	_ = 	snop;
	(pc) =	sbr.ind lr, $3  }
0x3a: {  	_ = 	snop  }
0x3b: {  	_ = 	snop  }
0x3c: {  	p2 =	seq.s32 s10, $0x1;
	s10 =	sld [smem:$0x3FBA]  }
0x3d: {  	_ =	shalt  }
0x3e: {  	_ =	shalt  }
0x3f: {  	_ =	shalt  }
0x40: {  	_ =	shalt  }
0x41: {  	_ =	shalt  }
0x42: {  	_ =	shalt  }
0x43: {  	_ =	shalt  }
0x44: {  	_ =	shalt  }
0x45: {  	_ =	shalt  }
0x46: {  	_ =	shalt  }
0x47: {  	_ =	shalt  }
0x48: {  	_ =	shalt  }
0x49: {  	_ =	shalt  }
0x4a: {  	_ =	shalt  }
0x4b: {  	_ =	shalt  }
0x4c: {  	_ =	shalt  }
0x4d: {  	_ =	shalt  }
0x4e: {  	_ =	shalt  }
0x4f: {  	_ =	shalt  }
0x50: {  	_ =	shalt  }
0x51: {  	_ =	shalt  }
0x52: {  	_ =	shalt  }
0x53: {  	_ =	shalt  }
0x54: {  	_ =	shalt  }
0x55: {  	_ =	shalt  }
0x56: {  	_ =	shalt  }
0x57: {  	_ =	shalt  }
0x58: {  	_ =	shalt  }
0x59: {  	_ =	shalt  }
0x5a: {  	_ =	shalt  }
0x5b: {  	_ =	shalt  }
0x5c: {  	_ =	shalt  }
0x5d: {  	_ =	shalt  }
0x5e: {  	_ =	shalt  }
0x5f: {  	_ =	shalt  }
0x60: {  	_ =	shalt  }
0x61: {  	_ =	shalt  }
0x62: {  	_ =	shalt  }
0x63: {  	_ =	shalt  }
0x64: {  	_ =	shalt  }
0x65: {  	_ =	shalt  }
0x66: {  	_ =	shalt  }
0x67: {  	_ =	shalt  }
0x68: {  	_ =	shalt  }
0x69: {  	_ =	shalt  }
0x6a: {  	_ =	shalt  }
0x6b: {  	_ =	shalt  }
0x6c: {  	_ =	shalt  }
0x6d: {  	_ =	shalt  }
0x6e: {  	_ =	shalt  }
0x6f: {  	_ =	shalt  }
0x70: {  	_ =	shalt  }
0x71: {  	_ =	shalt  }
0x72: {  	_ =	shalt  }
0x73: {  	_ =	shalt  }
0x74: {  	_ =	shalt  }
0x75: {  	_ =	shalt  }
0x76: {  	_ =	shalt  }
0x77: {  	_ =	shalt  }
0x78: {  	_ =	shalt  }
0x79: {  	_ =	shalt  }
0x7a: {  	_ =	shalt  }
0x7b: {  	_ =	shalt  }
0x7c: {  	_ =	shalt  }
0x7d: {  	_ =	shalt  }
0x7e: {  	_ =	shalt  }
0x7f: {  	_ =	shalt  }
0x80: {  	_ =	shalt  }
0x81: {  	_ =	shalt  }
0x82: {  	_ =	shalt  }
0x83: {  	_ =	shalt  }
0x84: {  	_ =	shalt  }
0x85: {  	_ =	shalt  }
0x86: {  	_ =	shalt  }
0x87: {  	_ =	shalt  }
.Lfunc_end0:
.L_simem_size_0:
called_computation_lowered:
.L_overlay_start_0:
0x88: {  	s2 =	sld [smem:$0x3FD9]  }
0x89: {  	s3 =	sld [smem:$0x3FFE];
	_ =	sdelay $0x1  }
0x8a: {  	s1 =	srdreg.scid  }
0x8b: {  	s0 =	sand.u32 $0x1, s1  }
0x8c: {  	s14 =	sshll.u32 s0, $0xA;
	s2 =	sadd.s32 s3, s2  }
0x8d: {  	s2 =	sadd.s32 s2, s14  }
0x8e: {  	[smem:$0x3FC6] =	sst s2  }
0x8f: {  	_ = 	snop  }
0x90: {  	s2 =	sld [smem:$0x3FD0];
	_ =	sdelay $0x2  }
0x91: {  	s4 =	simm.s32 $0xA;
	s5 =	simm.s32 $0x10;
	s15 =	sld [smem:$0x3FC8]  }
0x92: {  	[smem:s5], [sflag:s4] =	dma.local [hbm:s2], $0x1  }
0x93: {  	_ =	swait.eq [sflag:s4], $0x1  }
0x94: {  	[sflag:s4] =	ssyncset.done $0x0  }
0x95: {  	[sflag:s4] =	ssyncadd.s32 $0xFFFFFFFF  }
0x96: {  	s16 =	sld [smem:$0x10];
	(tm) =	ssettm $0x1  }
0x97: {  	s17 =	sld [smem:$0x3FFB];
	_ =	sdelay $0x3  }
0x98: {  	_ =	strace s17  }
0x99: {  	s4 =	sld [smem:$0x3FFC];
	_ =	sdelay $0x3  }
0x9a: {  	_ =	strace s4  }
0x9b: {  	s4 =	sld [smem:$0x3FFD];
	_ =	sdelay $0x3  }
0x9c: {  	_ =	strace s4  }
0x9d: {  	_ =	strace $0x8FFFFFFF  }
0x9e: {  	s18 =	sld [smem:$0x3FDB];
	_ =	sdelay $0x1  }
0x9f: {  	s19 =	simm.s32 $_scs_section_size  }
0xa0: {  	s6 =	simm.s32 $_size__tile_overlayer_lowered;
	s7 =	simm.s32 $_tile_overlayer_lowered  }
0xa1: {  	s22 =	simm.s32 $0x1BFF;
	s21 =	sshll.u32 s7, $0x1;
	s4 =	sadd.s32 s19, s18  }
0xa2: {  	s8 =	simm.s32 $0x0;
	s20 =	sshll.u32 s6, $0x1;
	s6 =	sadd.s32 s21, s4  }
0xa3: {  	[timem:s8], [sflag:s22] =	dma.local [hbm:s6], s20  }
0xa4: {  	_ =	swait.ge [sflag:s22], s20  }
0xa5: {  	s5 =	ssub.s32 $0x0, s20;
	[sflag:s22] =	ssyncset.done $0x0  }
0xa6: {  	[sflag:s22] =	ssyncadd.s32 s5;
	_ =	sdelay $0x1  }
0xa7: {  	s23 =	simm.s32 $0x1B8B  }
0xa8: {  	_ =	swait.ge [sflag:s23], $0x1  }
0xa9: {  	[sflag:s23] =	ssyncset.done $0x0  }
0xaa: {  	s25 =	simm.s32 $0x1B8E;
	s24 =	sld [smem:$0x3FFE];
	[sflag:s23] =	ssyncadd.s32 $0xFFFFFFFF  }
0xab: {  	s26 =	simm.s32 $execute0_lowered;
	[smem:$0x3FD2] =	sst s25  }
0xac: {  	s6 =	sshll.u32 s26, $0x1;
	_ =	strace $0x80000046;
	[dreg:$0x1] =	wrdreg $0xFFFFFFFF  }
0xad: {  	s28 =	simm.s32 $_size_execute0_lowered;
	s4 =	sadd.s32 s4, s6;
	[dreg:$0x0] =	wrdreg $0x0  }
0xae: {  	s6 =	sshll.u32 s28, $0x1;
	[dreg:$0x2] =	wrdreg s4  }
0xaf: {  	[dreg:$0x3] =	wrdreg s6  }
0xb0: {  	[dreg:$0x4] =	wrdreg $0xC0  }
0xb1: {  	_ =	task [dreg:s8], $0x5FFFF  }
0xb2: {  	[dreg:$0x1] =	wrdreg $0xFFFFFFFF  }
0xb3: {  	[dreg:$0x0] =	wrdreg $0x60  }
0xb4: {  	[dreg:$0x2] =	wrdreg s15  }
0xb5: {  	[dreg:$0x3] =	wrdreg s24  }
0xb6: {  	[dreg:$0x4] =	wrdreg s16  }
0xb7: {  	[dreg:$0x5] =	wrdreg $0x9  }
0xb8: {  	_ =	task.clear_ibuf [dreg:s8], $0x6FFFF;
	_ =	strace $0x90000046  }
0xb9: {  	s29 =	simm.s32 $0x9;
	_ =	strace $0x80000048  }
0xba: {  	_ =	swait.ge [sflag:s29], $0x1  }
0xbb: {  	[sflag:s29] =	ssyncadd.s32 $0xFFFFFFFF  }
0xbc: {  	_ =	strace $0x90000048  }
0xbd: {  	_ =	sfence  }
0xbe: {  	s30 =	sld [smem:$0x0];
	_ =	sdelay $0x2  }
0xbf: {  	s31 =	sshll.u32 s1, $0xD;
	s1 =	sshrl.u32 s1, $0x2  }
0xc0: {  	s3 =	sand.u32 $0x4000, s31;
	s1 =	sadd.s32 s1, s30  }
0xc1: {  	s0 =	sor.u32 s3, s0;
	s1 =	sshll.u32 s1, $0x11  }
0xc2: {  	s0 =	sor.u32 s1, s0  }
0xc3: {  	s0 =	sadd.s32 $0x8F2B, s0  }
0xc4: {  	[sflag:s0] =	ssyncadd.remote.s32 $0x1  }
0xc5: {  	_ =	sfence.sel $0xFFFF  }
0xc6: {  	[dreg:$0x0] =	wrdreg $0xFFFFFFFF;
	(pc) =	sbr.abs _section_cstart, $3  }
0xc7: {  	[dreg:$0x1] =	wrdreg $0xFFFFFFFF  }
0xc8: {  	_ =	task.clear_ibuf [dreg:s8], $0x2FFFF;
	_ =	strace $0x9FFFFFFF  }
0xc9: {  	(tm) =	ssettm $0x7FFFFFFF  }
tec
execute0_lowered:
.L_overlay_start_1:
0x0: {  	(tag) =	ssettag $0x1  }
0x1: {  	s0 =	srdreg.scid;
	s1 =	rddreg [dreg:$0x0]  }
0x2: {  	s2 =	stileid.u32;
	s4 =	rddreg [dreg:$0x1]  }
0x3: {  	s5 =	rddreg [dreg:$0x2];
	s3 =	simm.s32 $0x0;
	s14 =	simm.s32 $0x1  }
0x4: {  	s15 =	simm.s32 $0x3;
	s16 =	simm.s32 $0x2;
	s17 =	simm.s32 $0x4  }
0x5: {  	s19 =	simm.s32 $0x980;
	s20 =	simm.s32 $0x1180;
	s28 =	simm.s32 $0x4180  }
0x6: {  	s29 =	simm.s32 $0x4980;
	s30 =	simm.s32 $0x5180;
	s31 =	simm.s32 $0x5980  }
0x7: {  	s8 =	simm.s32 $0x6980;
	s0 =	sand.u32 $0x1, s0;
	s2 =	sshll.u32 s2, $0x1  }
0x8: {  	s9 =	simm.s32 $0x8980;
	s10 =	simm.s32 $0x9180;
	s2 =	sor.u32 s0, s2  }
0x9: {  	s11 =	simm.s32 $0x9980;
	s12 =	simm.s32 $0xA180;
	s6 =	smul.u32 $0x30, s2  }
0xa: {  	s13 =	simm.s32 $0xA980;
	s0 =	ssub.s32 $0x2, s0;
	s7 =	smul.u32 $0x6000, s2  }
0xb: {  	[smem:$0x7FF] =	sst s3;
	s2 =	smul.u32 $0x30000, s2;
	s24 =	sshrl.u32 s0, $0x1  }
0xc: {  	_ =	strace $0x80000047;
	s0 =	ssub.s32 s0, s24;
	s24 =	simm.s32 $0x180  }
0xd: {  	s4 =	sadd.s32 s6, s4;
	s21 =	sadd.s32 s5, s7;
	s2 =	sshrl.u32 s2, $0x3  }
0xe: {  	s6 =	smax.u32 s0, $0x1;
	s4 =	sadd.s32 $0x1800, s4;
	[dreg:$0xa] =	wrdreg s21  }
0xf: {  	s22 =	sadd.s32 $0x1000, s21;
	s2 =	sadd.s32 s5, s2;
	[dreg:$0x4] =	wrdreg s4  }
0x10: {  	s7 =	simm.s32 $0x7980;
	[dreg:$0x5] =	wrdreg s22;
	s23 =	sadd.s32 $0x2000, s2  }
0x11: {  	s0 =	simm.s32 $0x8180;
	s25 =	sadd.s32 $0x3000, s2;
	[dreg:$0x6] =	wrdreg s23  }
0x12: {  	s5 =	sadd.s32 $0x100, s1;
	s26 =	sadd.s32 $0x4000, s2;
	[dreg:$0x7] =	wrdreg s25  }
0x13: {  	v2 =	vlaneseq.u32;
	s21 =	simm.s32 $0x1980;
	s2 =	sadd.s32 $0x5000, s2;
	[dreg:$0x8] =	wrdreg s26  }
0x14: {  	vm0 =	vmmov $0xffff;
	v1 =	vshrl.u32 v2, $0x3;
	s22 =	simm.s32 $0x2180;
	s4 =	simm.s32 $0x7180;
	[dreg:$0x9] =	wrdreg s2  }
0x15: {  	v0 =	vand.u32 $0x7, v2;
	v2 =	vor.u32 $0x8, v2;
	v1 =	vmul.u32 $0x8, v1;
	s23 =	simm.s32 $0x2980;
	s25 =	simm.s32 $0x3180;
	s26 =	simm.s32 $0x3980  }
.LBB2_1:
0x16: {  	s18 =	rddreg [dreg:$0x4];
	s2 =	simm.s32 $0x5  }
0x17: {  	[tilespmem:s3], [sflag:$0x5] =	stream.linear.gather [hbm4b:s18+s3], $0x180, $0x38;
	[tilespmem:$0x10180] =	vst v63  }
0x18: {  	_ =	swait.ge [sflag:s2], $0x180  }
0x19: {  	[sflag:s2] =	ssyncset.done $0x0  }
0x1a: {  	[sflag:s2] =	ssyncadd.s32 $0xFFFFFE80  }
0x1b: {  	v3 =	vld [tilespmem:$0x0];
	_ =	sdelay $0x4  }
0x1c: {  	v4 =	vshll.u32 v3, $0x2  }
0x1d: {  	v3 =	vand.u32 $0x7, v3;
	v4 =	vand.u32 $0xFFFFFFE0, v4  }
0x1e: {  	v3 =	vor.u32 v3, v4  }
0x1f: {  	v4 =	vperm.xlane v3, v0;
	_ =	sdelay $0x1  }
0x20: {  	v4 =	vadd.s32 v1, v4;
	_ =	sdelay $0x1  }
0x21: {  	v3 =	vperm.xlane v3, v2;
	_ =	sdelay $0x1  }
0x22: {  	v3 =	vadd.s32 v1, v3  }
0x23: {  	[tilespmem:s24], [sflag:$0x1] =	stream.indirect_vreg.gather [hbm4b:s1+s3], $0x80, v4, vm0, $0xb8;
	[tilespmem:$0x10180] =	vst v63  }
0x24: {  	_ = 	snop  }
0x25: {  	[tilespmem:s19], [sflag:$0x1] =	stream.indirect_vreg.gather [hbm4b:s5+s3], $0x80, v4, vm0, $0xb8;
	[tilespmem:$0x10180] =	vst v63  }
0x26: {  	_ = 	snop  }
0x27: {  	[tilespmem:s20], [sflag:$0x1] =	stream.indirect_vreg.gather [hbm4b:s1+s3], $0x80, v3, vm0, $0xb8;
	[tilespmem:$0x10180] =	vst v63  }
0x28: {  	_ = 	snop  }
0x29: {  	[tilespmem:s21], [sflag:$0x1] =	stream.indirect_vreg.gather [hbm4b:s5+s3], $0x80, v3, vm0, $0xb8;
	[tilespmem:$0x10180] =	vst v63  }
0x2a: {  	v3 =	vld [tilespmem:$0x10];
	_ =	sdelay $0x4  }
0x2b: {  	v41 =	vshll.u32 v3, $0x2  }
0x2c: {  	v3 =	vand.u32 $0x7, v3;
	v4 =	vand.u32 $0xFFFFFFE0, v41  }
0x2d: {  	v3 =	vor.u32 v3, v4  }
0x2e: {  	v4 =	vperm.xlane v3, v0;
	_ =	sdelay $0x1  }
0x2f: {  	v4 =	vadd.s32 v1, v4;
	_ =	sdelay $0x1  }
0x30: {  	v3 =	vperm.xlane v3, v2;
	_ =	sdelay $0x1  }
0x31: {  	v3 =	vadd.s32 v1, v3  }
0x32: {  	[tilespmem:s22], [sflag:$0x1] =	stream.indirect_vreg.gather [hbm4b:s1+s3], $0x80, v4, vm0, $0xb8;
	[tilespmem:$0x10180] =	vst v63  }
0x33: {  	_ = 	snop  }
0x34: {  	[tilespmem:s23], [sflag:$0x1] =	stream.indirect_vreg.gather [hbm4b:s5+s3], $0x80, v4, vm0, $0xb8;
	[tilespmem:$0x10180] =	vst v63  }
0x35: {  	_ = 	snop  }
0x36: {  	[tilespmem:s25], [sflag:$0x1] =	stream.indirect_vreg.gather [hbm4b:s1+s3], $0x80, v3, vm0, $0xb8;
	[tilespmem:$0x10180] =	vst v63  }
0x37: {  	_ = 	snop  }
0x38: {  	[tilespmem:s26], [sflag:$0x1] =	stream.indirect_vreg.gather [hbm4b:s5+s3], $0x80, v3, vm0, $0xb8;
	[tilespmem:$0x10180] =	vst v63  }
0x39: {  	v3 =	vld [tilespmem:$0x20];
	_ =	sdelay $0x4  }
0x3a: {  	v42 =	vshll.u32 v3, $0x2  }
0x3b: {  	v3 =	vand.u32 $0x7, v3;
	v4 =	vand.u32 $0xFFFFFFE0, v42  }
0x3c: {  	v3 =	vor.u32 v3, v4  }
0x3d: {  	v4 =	vperm.xlane v3, v0;
	_ =	sdelay $0x1  }
0x3e: {  	v4 =	vadd.s32 v1, v4;
	_ =	sdelay $0x1  }
0x3f: {  	v3 =	vperm.xlane v3, v2;
	_ =	sdelay $0x1  }
0x40: {  	v3 =	vadd.s32 v1, v3  }
0x41: {  	[tilespmem:s28], [sflag:$0x1] =	stream.indirect_vreg.gather [hbm4b:s1+s3], $0x80, v4, vm0, $0xb8;
	[tilespmem:$0x10180] =	vst v63  }
0x42: {  	_ = 	snop  }
0x43: {  	[tilespmem:s29], [sflag:$0x1] =	stream.indirect_vreg.gather [hbm4b:s5+s3], $0x80, v4, vm0, $0xb8;
	[tilespmem:$0x10180] =	vst v63  }
0x44: {  	_ = 	snop  }
0x45: {  	[tilespmem:s30], [sflag:$0x1] =	stream.indirect_vreg.gather [hbm4b:s1+s3], $0x80, v3, vm0, $0xb8;
	[tilespmem:$0x10180] =	vst v63  }
0x46: {  	_ = 	snop  }
0x47: {  	[tilespmem:s31], [sflag:$0x1] =	stream.indirect_vreg.gather [hbm4b:s5+s3], $0x80, v3, vm0, $0xb8;
	[tilespmem:$0x10180] =	vst v63  }
0x48: {  	v3 =	vld [tilespmem:$0x30];
	_ =	sdelay $0x4  }
0x49: {  	v43 =	vshll.u32 v3, $0x2  }
0x4a: {  	v3 =	vand.u32 $0x7, v3;
	v4 =	vand.u32 $0xFFFFFFE0, v43  }
0x4b: {  	v3 =	vor.u32 v3, v4  }
0x4c: {  	v4 =	vperm.xlane v3, v0;
	_ =	sdelay $0x1  }
0x4d: {  	v4 =	vadd.s32 v1, v4;
	_ =	sdelay $0x1  }
0x4e: {  	v3 =	vperm.xlane v3, v2;
	_ =	sdelay $0x1  }
0x4f: {  	s2 =	simm.s32 $0x6180;
	v3 =	vadd.s32 v1, v3  }
0x50: {  	[tilespmem:s2], [sflag:$0x1] =	stream.indirect_vreg.gather [hbm4b:s1+s3], $0x80, v4, vm0, $0xb8;
	[tilespmem:$0x10180] =	vst v63  }
0x51: {  	_ = 	snop  }
0x52: {  	[tilespmem:s8], [sflag:$0x1] =	stream.indirect_vreg.gather [hbm4b:s5+s3], $0x80, v4, vm0, $0xb8;
	[tilespmem:$0x10180] =	vst v63  }
0x53: {  	_ = 	snop  }
0x54: {  	[tilespmem:s4], [sflag:$0x1] =	stream.indirect_vreg.gather [hbm4b:s1+s3], $0x80, v3, vm0, $0xb8;
	[tilespmem:$0x10180] =	vst v63  }
0x55: {  	_ = 	snop  }
0x56: {  	[tilespmem:s7], [sflag:$0x1] =	stream.indirect_vreg.gather [hbm4b:s5+s3], $0x80, v3, vm0, $0xb8;
	[tilespmem:$0x10180] =	vst v63  }
0x57: {  	v3 =	vld [tilespmem:$0x40];
	_ =	sdelay $0x4  }
0x58: {  	v44 =	vshll.u32 v3, $0x2  }
0x59: {  	v3 =	vand.u32 $0x7, v3;
	v4 =	vand.u32 $0xFFFFFFE0, v44  }
0x5a: {  	v3 =	vor.u32 v3, v4  }
0x5b: {  	v4 =	vperm.xlane v3, v0;
	_ =	sdelay $0x1  }
0x5c: {  	v4 =	vadd.s32 v1, v4;
	_ =	sdelay $0x1  }
0x5d: {  	v3 =	vperm.xlane v3, v2;
	_ =	sdelay $0x1  }
0x5e: {  	v3 =	vadd.s32 v1, v3  }
0x5f: {  	[tilespmem:s0], [sflag:$0x2] =	stream.indirect_vreg.gather [hbm4b:s1+s3], $0x80, v4, vm0, $0xb8;
	[tilespmem:$0x10180] =	vst v63  }
0x60: {  	_ = 	snop  }
0x61: {  	[tilespmem:s9], [sflag:$0x2] =	stream.indirect_vreg.gather [hbm4b:s5+s3], $0x80, v4, vm0, $0xb8;
	[tilespmem:$0x10180] =	vst v63  }
0x62: {  	_ = 	snop  }
0x63: {  	[tilespmem:s10], [sflag:$0x2] =	stream.indirect_vreg.gather [hbm4b:s1+s3], $0x80, v3, vm0, $0xb8;
	[tilespmem:$0x10180] =	vst v63  }
0x64: {  	_ = 	snop  }
0x65: {  	[tilespmem:s11], [sflag:$0x2] =	stream.indirect_vreg.gather [hbm4b:s5+s3], $0x80, v3, vm0, $0xb8;
	[tilespmem:$0x10180] =	vst v63  }
0x66: {  	v3 =	vld [tilespmem:$0x50];
	_ =	sdelay $0x4  }
0x67: {  	v45 =	vshll.u32 v3, $0x2  }
0x68: {  	v3 =	vand.u32 $0x7, v3;
	v4 =	vand.u32 $0xFFFFFFE0, v45  }
0x69: {  	v3 =	vor.u32 v3, v4  }
0x6a: {  	v4 =	vperm.xlane v3, v0;
	_ =	sdelay $0x1  }
0x6b: {  	v4 =	vadd.s32 v1, v4;
	_ =	sdelay $0x1  }
0x6c: {  	v3 =	vperm.xlane v3, v2;
	_ =	sdelay $0x1  }
0x6d: {  	v3 =	vadd.s32 v1, v3  }
0x6e: {  	[tilespmem:s12], [sflag:$0x2] =	stream.indirect_vreg.gather [hbm4b:s1+s3], $0x80, v4, vm0, $0xb8;
	[tilespmem:$0x10180] =	vst v63  }
0x6f: {  	_ = 	snop  }
0x70: {  	[tilespmem:s13], [sflag:$0x2] =	stream.indirect_vreg.gather [hbm4b:s5+s3], $0x80, v4, vm0, $0xb8;
	[tilespmem:$0x10180] =	vst v63  }
0x71: {  	s18 =	simm.s32 $0xB180  }
0x72: {  	[tilespmem:s18], [sflag:$0x2] =	stream.indirect_vreg.gather [hbm4b:s1+s3], $0x80, v3, vm0, $0xb8;
	[tilespmem:$0x10180] =	vst v63  }
0x73: {  	s18 =	simm.s32 $0xB980  }
0x74: {  	[tilespmem:s18], [sflag:$0x2] =	stream.indirect_vreg.gather [hbm4b:s5+s3], $0x80, v3, vm0, $0xb8;
	[tilespmem:$0x10180] =	vst v63  }
0x75: {  	v3 =	vld [tilespmem:$0x60];
	_ =	sdelay $0x4  }
0x76: {  	v46 =	vshll.u32 v3, $0x2  }
0x77: {  	v3 =	vand.u32 $0x7, v3;
	v4 =	vand.u32 $0xFFFFFFE0, v46  }
0x78: {  	v3 =	vor.u32 v3, v4  }
0x79: {  	v4 =	vperm.xlane v3, v0;
	_ =	sdelay $0x1  }
0x7a: {  	v4 =	vadd.s32 v1, v4;
	_ =	sdelay $0x1  }
0x7b: {  	v3 =	vperm.xlane v3, v2;
	_ =	sdelay $0x1  }
0x7c: {  	s18 =	simm.s32 $0xC180;
	v3 =	vadd.s32 v1, v3  }
0x7d: {  	[tilespmem:s18], [sflag:$0x2] =	stream.indirect_vreg.gather [hbm4b:s1+s3], $0x80, v4, vm0, $0xb8;
	[tilespmem:$0x10180] =	vst v63  }
0x7e: {  	s18 =	simm.s32 $0xC980  }
0x7f: {  	[tilespmem:s18], [sflag:$0x2] =	stream.indirect_vreg.gather [hbm4b:s5+s3], $0x80, v4, vm0, $0xb8;
	[tilespmem:$0x10180] =	vst v63  }
0x80: {  	s18 =	simm.s32 $0xD180  }
0x81: {  	[tilespmem:s18], [sflag:$0x2] =	stream.indirect_vreg.gather [hbm4b:s1+s3], $0x80, v3, vm0, $0xb8;
	[tilespmem:$0x10180] =	vst v63  }
0x82: {  	s18 =	simm.s32 $0xD980  }
0x83: {  	[tilespmem:s18], [sflag:$0x2] =	stream.indirect_vreg.gather [hbm4b:s5+s3], $0x80, v3, vm0, $0xb8;
	[tilespmem:$0x10180] =	vst v63  }
0x84: {  	v3 =	vld [tilespmem:$0x70];
	_ =	sdelay $0x4  }
0x85: {  	v47 =	vshll.u32 v3, $0x2  }
0x86: {  	v3 =	vand.u32 $0x7, v3;
	v4 =	vand.u32 $0xFFFFFFE0, v47  }
0x87: {  	v3 =	vor.u32 v3, v4  }
0x88: {  	v4 =	vperm.xlane v3, v0;
	_ =	sdelay $0x1  }
0x89: {  	v4 =	vadd.s32 v1, v4;
	_ =	sdelay $0x1  }
0x8a: {  	v3 =	vperm.xlane v3, v2;
	_ =	sdelay $0x1  }
0x8b: {  	s18 =	simm.s32 $0xE180;
	v3 =	vadd.s32 v1, v3  }
0x8c: {  	[tilespmem:s18], [sflag:$0x2] =	stream.indirect_vreg.gather [hbm4b:s1+s3], $0x80, v4, vm0, $0xb8;
	[tilespmem:$0x10180] =	vst v63  }
0x8d: {  	s18 =	simm.s32 $0xE980  }
0x8e: {  	[tilespmem:s18], [sflag:$0x2] =	stream.indirect_vreg.gather [hbm4b:s5+s3], $0x80, v4, vm0, $0xb8;
	[tilespmem:$0x10180] =	vst v63  }
0x8f: {  	s18 =	simm.s32 $0xF180  }
0x90: {  	[tilespmem:s18], [sflag:$0x2] =	stream.indirect_vreg.gather [hbm4b:s1+s3], $0x80, v3, vm0, $0xb8;
	[tilespmem:$0x10180] =	vst v63  }
0x91: {  	s18 =	simm.s32 $0xF980  }
0x92: {  	[tilespmem:s18], [sflag:$0x2] =	stream.indirect_vreg.gather [hbm4b:s5+s3], $0x80, v3, vm0, $0xb8;
	[tilespmem:$0x10180] =	vst v63  }
0x93: {  	_ =	swait.ge [sflag:s14], $0x8000  }
0x94: {  	[sflag:s14] =	ssyncset.done $0x0  }
0x95: {  	s18 =	rddreg [dreg:$0xa];
	[sflag:s14] =	ssyncadd.s32 $0xFFFF8000  }
0x96: {  	[hbm4b:s18+s3] =	stream.linear.scatter [tilespmem:s24], [sflag:$0x3], $0x8000, $0x38;
	[tilespmem:$0x10180] =	vst v63  }
0x97: {  	_ =	swait.ge [sflag:s15], $0x8000  }
0x98: {  	[sflag:s15] =	ssyncset.done $0x0  }
0x99: {  	[sflag:s15] =	ssyncadd.s32 $0xFFFF8000  }
0x9a: {  	v3 =	vld [tilespmem:$0x80];
	_ =	sdelay $0x4  }
0x9b: {  	v48 =	vshll.u32 v3, $0x2  }
0x9c: {  	v3 =	vand.u32 $0x7, v3;
	v4 =	vand.u32 $0xFFFFFFE0, v48  }
0x9d: {  	v3 =	vor.u32 v3, v4  }
0x9e: {  	v4 =	vperm.xlane v3, v0;
	_ =	sdelay $0x1  }
0x9f: {  	v4 =	vadd.s32 v1, v4;
	_ =	sdelay $0x1  }
0xa0: {  	v3 =	vperm.xlane v3, v2;
	_ =	sdelay $0x1  }
0xa1: {  	v3 =	vadd.s32 v1, v3  }
0xa2: {  	[tilespmem:s24], [sflag:$0x1] =	stream.indirect_vreg.gather [hbm4b:s1+s3], $0x80, v4, vm0, $0xb8;
	[tilespmem:$0x10180] =	vst v63  }
0xa3: {  	_ = 	snop  }
0xa4: {  	[tilespmem:s19], [sflag:$0x1] =	stream.indirect_vreg.gather [hbm4b:s5+s3], $0x80, v4, vm0, $0xb8;
	[tilespmem:$0x10180] =	vst v63  }
0xa5: {  	_ = 	snop  }
0xa6: {  	[tilespmem:s20], [sflag:$0x1] =	stream.indirect_vreg.gather [hbm4b:s1+s3], $0x80, v3, vm0, $0xb8;
	[tilespmem:$0x10180] =	vst v63  }
0xa7: {  	_ = 	snop  }
0xa8: {  	[tilespmem:s21], [sflag:$0x1] =	stream.indirect_vreg.gather [hbm4b:s5+s3], $0x80, v3, vm0, $0xb8;
	[tilespmem:$0x10180] =	vst v63  }
0xa9: {  	v3 =	vld [tilespmem:$0x90];
	_ =	sdelay $0x4  }
0xaa: {  	v49 =	vshll.u32 v3, $0x2  }
0xab: {  	v3 =	vand.u32 $0x7, v3;
	v4 =	vand.u32 $0xFFFFFFE0, v49  }
0xac: {  	v3 =	vor.u32 v3, v4  }
0xad: {  	v4 =	vperm.xlane v3, v0;
	_ =	sdelay $0x1  }
0xae: {  	v4 =	vadd.s32 v1, v4;
	_ =	sdelay $0x1  }
0xaf: {  	v3 =	vperm.xlane v3, v2;
	_ =	sdelay $0x1  }
0xb0: {  	v3 =	vadd.s32 v1, v3  }
0xb1: {  	[tilespmem:s22], [sflag:$0x1] =	stream.indirect_vreg.gather [hbm4b:s1+s3], $0x80, v4, vm0, $0xb8;
	[tilespmem:$0x10180] =	vst v63  }
0xb2: {  	_ = 	snop  }
0xb3: {  	[tilespmem:s23], [sflag:$0x1] =	stream.indirect_vreg.gather [hbm4b:s5+s3], $0x80, v4, vm0, $0xb8;
	[tilespmem:$0x10180] =	vst v63  }
0xb4: {  	_ = 	snop  }
0xb5: {  	[tilespmem:s25], [sflag:$0x1] =	stream.indirect_vreg.gather [hbm4b:s1+s3], $0x80, v3, vm0, $0xb8;
	[tilespmem:$0x10180] =	vst v63  }
0xb6: {  	_ = 	snop  }
0xb7: {  	[tilespmem:s26], [sflag:$0x1] =	stream.indirect_vreg.gather [hbm4b:s5+s3], $0x80, v3, vm0, $0xb8;
	[tilespmem:$0x10180] =	vst v63  }
0xb8: {  	v3 =	vld [tilespmem:$0xA0];
	_ =	sdelay $0x4  }
0xb9: {  	v50 =	vshll.u32 v3, $0x2  }
0xba: {  	v3 =	vand.u32 $0x7, v3;
	v4 =	vand.u32 $0xFFFFFFE0, v50  }
0xbb: {  	v3 =	vor.u32 v3, v4  }
0xbc: {  	v4 =	vperm.xlane v3, v0;
	_ =	sdelay $0x1  }
0xbd: {  	v4 =	vadd.s32 v1, v4;
	_ =	sdelay $0x1  }
0xbe: {  	v3 =	vperm.xlane v3, v2;
	_ =	sdelay $0x1  }
0xbf: {  	v3 =	vadd.s32 v1, v3  }
0xc0: {  	[tilespmem:s28], [sflag:$0x1] =	stream.indirect_vreg.gather [hbm4b:s1+s3], $0x80, v4, vm0, $0xb8;
	[tilespmem:$0x10180] =	vst v63  }
0xc1: {  	_ = 	snop  }
0xc2: {  	[tilespmem:s29], [sflag:$0x1] =	stream.indirect_vreg.gather [hbm4b:s5+s3], $0x80, v4, vm0, $0xb8;
	[tilespmem:$0x10180] =	vst v63  }
0xc3: {  	_ = 	snop  }
0xc4: {  	[tilespmem:s30], [sflag:$0x1] =	stream.indirect_vreg.gather [hbm4b:s1+s3], $0x80, v3, vm0, $0xb8;
	[tilespmem:$0x10180] =	vst v63  }
0xc5: {  	_ = 	snop  }
0xc6: {  	[tilespmem:s31], [sflag:$0x1] =	stream.indirect_vreg.gather [hbm4b:s5+s3], $0x80, v3, vm0, $0xb8;
	[tilespmem:$0x10180] =	vst v63  }
0xc7: {  	v3 =	vld [tilespmem:$0xB0];
	_ =	sdelay $0x4  }
0xc8: {  	v51 =	vshll.u32 v3, $0x2  }
0xc9: {  	v3 =	vand.u32 $0x7, v3;
	v4 =	vand.u32 $0xFFFFFFE0, v51  }
0xca: {  	v3 =	vor.u32 v3, v4  }
0xcb: {  	v4 =	vperm.xlane v3, v0;
	_ =	sdelay $0x1  }
0xcc: {  	v4 =	vadd.s32 v1, v4;
	_ =	sdelay $0x1  }
0xcd: {  	v3 =	vperm.xlane v3, v2;
	_ =	sdelay $0x1  }
0xce: {  	v3 =	vadd.s32 v1, v3  }
0xcf: {  	[tilespmem:s2], [sflag:$0x1] =	stream.indirect_vreg.gather [hbm4b:s1+s3], $0x80, v4, vm0, $0xb8;
	[tilespmem:$0x10180] =	vst v63  }
0xd0: {  	_ = 	snop  }
0xd1: {  	[tilespmem:s8], [sflag:$0x1] =	stream.indirect_vreg.gather [hbm4b:s5+s3], $0x80, v4, vm0, $0xb8;
	[tilespmem:$0x10180] =	vst v63  }
0xd2: {  	_ = 	snop  }
0xd3: {  	[tilespmem:s4], [sflag:$0x1] =	stream.indirect_vreg.gather [hbm4b:s1+s3], $0x80, v3, vm0, $0xb8;
	[tilespmem:$0x10180] =	vst v63  }
0xd4: {  	_ = 	snop  }
0xd5: {  	[tilespmem:s7], [sflag:$0x1] =	stream.indirect_vreg.gather [hbm4b:s5+s3], $0x80, v3, vm0, $0xb8;
	[tilespmem:$0x10180] =	vst v63  }
0xd6: {  	_ =	swait.ge [sflag:s16], $0x8000  }
0xd7: {  	[sflag:s16] =	ssyncset.done $0x0  }
0xd8: {  	s18 =	rddreg [dreg:$0x5];
	[sflag:s16] =	ssyncadd.s32 $0xFFFF8000  }
0xd9: {  	[hbm4b:s18+s3] =	stream.linear.scatter [tilespmem:s0], [sflag:$0x4], $0x8000, $0x38;
	[tilespmem:$0x10180] =	vst v63  }
0xda: {  	_ =	swait.ge [sflag:s17], $0x8000  }
0xdb: {  	[sflag:s17] =	ssyncset.done $0x0  }
0xdc: {  	[sflag:s17] =	ssyncadd.s32 $0xFFFF8000  }
0xdd: {  	v3 =	vld [tilespmem:$0xC0];
	_ =	sdelay $0x4  }
0xde: {  	v52 =	vshll.u32 v3, $0x2  }
0xdf: {  	v3 =	vand.u32 $0x7, v3;
	v4 =	vand.u32 $0xFFFFFFE0, v52  }
0xe0: {  	v3 =	vor.u32 v3, v4  }
0xe1: {  	v4 =	vperm.xlane v3, v0;
	_ =	sdelay $0x1  }
0xe2: {  	v4 =	vadd.s32 v1, v4;
	_ =	sdelay $0x1  }
0xe3: {  	v3 =	vperm.xlane v3, v2;
	_ =	sdelay $0x1  }
0xe4: {  	v3 =	vadd.s32 v1, v3  }
0xe5: {  	[tilespmem:s0], [sflag:$0x2] =	stream.indirect_vreg.gather [hbm4b:s1+s3], $0x80, v4, vm0, $0xb8;
	[tilespmem:$0x10180] =	vst v63  }
0xe6: {  	_ = 	snop  }
0xe7: {  	[tilespmem:s9], [sflag:$0x2] =	stream.indirect_vreg.gather [hbm4b:s5+s3], $0x80, v4, vm0, $0xb8;
	[tilespmem:$0x10180] =	vst v63  }
0xe8: {  	_ = 	snop  }
0xe9: {  	[tilespmem:s10], [sflag:$0x2] =	stream.indirect_vreg.gather [hbm4b:s1+s3], $0x80, v3, vm0, $0xb8;
	[tilespmem:$0x10180] =	vst v63  }
0xea: {  	_ = 	snop  }
0xeb: {  	[tilespmem:s11], [sflag:$0x2] =	stream.indirect_vreg.gather [hbm4b:s5+s3], $0x80, v3, vm0, $0xb8;
	[tilespmem:$0x10180] =	vst v63  }
0xec: {  	v3 =	vld [tilespmem:$0xD0];
	_ =	sdelay $0x4  }
0xed: {  	v53 =	vshll.u32 v3, $0x2  }
0xee: {  	v3 =	vand.u32 $0x7, v3;
	v4 =	vand.u32 $0xFFFFFFE0, v53  }
0xef: {  	v3 =	vor.u32 v3, v4  }
0xf0: {  	v4 =	vperm.xlane v3, v0;
	_ =	sdelay $0x1  }
0xf1: {  	v4 =	vadd.s32 v1, v4;
	_ =	sdelay $0x1  }
0xf2: {  	v3 =	vperm.xlane v3, v2;
	_ =	sdelay $0x1  }
0xf3: {  	v3 =	vadd.s32 v1, v3  }
0xf4: {  	[tilespmem:s12], [sflag:$0x2] =	stream.indirect_vreg.gather [hbm4b:s1+s3], $0x80, v4, vm0, $0xb8;
	[tilespmem:$0x10180] =	vst v63  }
0xf5: {  	_ = 	snop  }
0xf6: {  	[tilespmem:s13], [sflag:$0x2] =	stream.indirect_vreg.gather [hbm4b:s5+s3], $0x80, v4, vm0, $0xb8;
	[tilespmem:$0x10180] =	vst v63  }
0xf7: {  	s18 =	simm.s32 $0xB180  }
0xf8: {  	[tilespmem:s18], [sflag:$0x2] =	stream.indirect_vreg.gather [hbm4b:s1+s3], $0x80, v3, vm0, $0xb8;
	[tilespmem:$0x10180] =	vst v63  }
0xf9: {  	s18 =	simm.s32 $0xB980  }
0xfa: {  	[tilespmem:s18], [sflag:$0x2] =	stream.indirect_vreg.gather [hbm4b:s5+s3], $0x80, v3, vm0, $0xb8;
	[tilespmem:$0x10180] =	vst v63  }
0xfb: {  	v3 =	vld [tilespmem:$0xE0];
	_ =	sdelay $0x4  }
0xfc: {  	v54 =	vshll.u32 v3, $0x2  }
0xfd: {  	v3 =	vand.u32 $0x7, v3;
	v4 =	vand.u32 $0xFFFFFFE0, v54  }
0xfe: {  	v3 =	vor.u32 v3, v4  }
0xff: {  	v4 =	vperm.xlane v3, v0;
	_ =	sdelay $0x1  }
0x100: {  	v4 =	vadd.s32 v1, v4;
	_ =	sdelay $0x1  }
0x101: {  	v3 =	vperm.xlane v3, v2;
	_ =	sdelay $0x1  }
0x102: {  	s18 =	simm.s32 $0xC180;
	v3 =	vadd.s32 v1, v3  }
0x103: {  	[tilespmem:s18], [sflag:$0x2] =	stream.indirect_vreg.gather [hbm4b:s1+s3], $0x80, v4, vm0, $0xb8;
	[tilespmem:$0x10180] =	vst v63  }
0x104: {  	s18 =	simm.s32 $0xC980  }
0x105: {  	[tilespmem:s18], [sflag:$0x2] =	stream.indirect_vreg.gather [hbm4b:s5+s3], $0x80, v4, vm0, $0xb8;
	[tilespmem:$0x10180] =	vst v63  }
0x106: {  	s18 =	simm.s32 $0xD180  }
0x107: {  	[tilespmem:s18], [sflag:$0x2] =	stream.indirect_vreg.gather [hbm4b:s1+s3], $0x80, v3, vm0, $0xb8;
	[tilespmem:$0x10180] =	vst v63  }
0x108: {  	s18 =	simm.s32 $0xD980  }
0x109: {  	[tilespmem:s18], [sflag:$0x2] =	stream.indirect_vreg.gather [hbm4b:s5+s3], $0x80, v3, vm0, $0xb8;
	[tilespmem:$0x10180] =	vst v63  }
0x10a: {  	v3 =	vld [tilespmem:$0xF0];
	_ =	sdelay $0x4  }
0x10b: {  	v55 =	vshll.u32 v3, $0x2  }
0x10c: {  	v3 =	vand.u32 $0x7, v3;
	v4 =	vand.u32 $0xFFFFFFE0, v55  }
0x10d: {  	v3 =	vor.u32 v3, v4  }
0x10e: {  	v4 =	vperm.xlane v3, v0;
	_ =	sdelay $0x1  }
0x10f: {  	v4 =	vadd.s32 v1, v4;
	_ =	sdelay $0x1  }
0x110: {  	v3 =	vperm.xlane v3, v2;
	_ =	sdelay $0x1  }
0x111: {  	s18 =	simm.s32 $0xE180;
	v3 =	vadd.s32 v1, v3  }
0x112: {  	[tilespmem:s18], [sflag:$0x2] =	stream.indirect_vreg.gather [hbm4b:s1+s3], $0x80, v4, vm0, $0xb8;
	[tilespmem:$0x10180] =	vst v63  }
0x113: {  	s18 =	simm.s32 $0xE980  }
0x114: {  	[tilespmem:s18], [sflag:$0x2] =	stream.indirect_vreg.gather [hbm4b:s5+s3], $0x80, v4, vm0, $0xb8;
	[tilespmem:$0x10180] =	vst v63  }
0x115: {  	s18 =	simm.s32 $0xF180  }
0x116: {  	[tilespmem:s18], [sflag:$0x2] =	stream.indirect_vreg.gather [hbm4b:s1+s3], $0x80, v3, vm0, $0xb8;
	[tilespmem:$0x10180] =	vst v63  }
0x117: {  	s18 =	simm.s32 $0xF980  }
0x118: {  	[tilespmem:s18], [sflag:$0x2] =	stream.indirect_vreg.gather [hbm4b:s5+s3], $0x80, v3, vm0, $0xb8;
	[tilespmem:$0x10180] =	vst v63  }
0x119: {  	_ =	swait.ge [sflag:s14], $0x8000  }
0x11a: {  	[sflag:s14] =	ssyncset.done $0x0  }
0x11b: {  	s18 =	rddreg [dreg:$0x6];
	[sflag:s14] =	ssyncadd.s32 $0xFFFF8000  }
0x11c: {  	[hbm4b:s18+s3] =	stream.linear.scatter [tilespmem:s24], [sflag:$0x3], $0x8000, $0x38;
	[tilespmem:$0x10180] =	vst v63  }
0x11d: {  	_ =	swait.ge [sflag:s15], $0x8000  }
0x11e: {  	[sflag:s15] =	ssyncset.done $0x0  }
0x11f: {  	[sflag:s15] =	ssyncadd.s32 $0xFFFF8000  }
0x120: {  	v3 =	vld [tilespmem:$0x100];
	_ =	sdelay $0x4  }
0x121: {  	v56 =	vshll.u32 v3, $0x2  }
0x122: {  	v3 =	vand.u32 $0x7, v3;
	v4 =	vand.u32 $0xFFFFFFE0, v56  }
0x123: {  	v3 =	vor.u32 v3, v4  }
0x124: {  	v4 =	vperm.xlane v3, v0;
	_ =	sdelay $0x1  }
0x125: {  	v4 =	vadd.s32 v1, v4;
	_ =	sdelay $0x1  }
0x126: {  	v3 =	vperm.xlane v3, v2;
	_ =	sdelay $0x1  }
0x127: {  	v3 =	vadd.s32 v1, v3  }
0x128: {  	[tilespmem:s24], [sflag:$0x1] =	stream.indirect_vreg.gather [hbm4b:s1+s3], $0x80, v4, vm0, $0xb8;
	[tilespmem:$0x10180] =	vst v63  }
0x129: {  	_ = 	snop  }
0x12a: {  	[tilespmem:s19], [sflag:$0x1] =	stream.indirect_vreg.gather [hbm4b:s5+s3], $0x80, v4, vm0, $0xb8;
	[tilespmem:$0x10180] =	vst v63  }
0x12b: {  	_ = 	snop  }
0x12c: {  	[tilespmem:s20], [sflag:$0x1] =	stream.indirect_vreg.gather [hbm4b:s1+s3], $0x80, v3, vm0, $0xb8;
	[tilespmem:$0x10180] =	vst v63  }
0x12d: {  	_ = 	snop  }
0x12e: {  	[tilespmem:s21], [sflag:$0x1] =	stream.indirect_vreg.gather [hbm4b:s5+s3], $0x80, v3, vm0, $0xb8;
	[tilespmem:$0x10180] =	vst v63  }
0x12f: {  	v3 =	vld [tilespmem:$0x110];
	_ =	sdelay $0x4  }
0x130: {  	v57 =	vshll.u32 v3, $0x2  }
0x131: {  	v3 =	vand.u32 $0x7, v3;
	v4 =	vand.u32 $0xFFFFFFE0, v57  }
0x132: {  	v3 =	vor.u32 v3, v4  }
0x133: {  	v4 =	vperm.xlane v3, v0;
	_ =	sdelay $0x1  }
0x134: {  	v4 =	vadd.s32 v1, v4;
	_ =	sdelay $0x1  }
0x135: {  	v3 =	vperm.xlane v3, v2;
	_ =	sdelay $0x1  }
0x136: {  	v3 =	vadd.s32 v1, v3  }
0x137: {  	[tilespmem:s22], [sflag:$0x1] =	stream.indirect_vreg.gather [hbm4b:s1+s3], $0x80, v4, vm0, $0xb8;
	[tilespmem:$0x10180] =	vst v63  }
0x138: {  	_ = 	snop  }
0x139: {  	[tilespmem:s23], [sflag:$0x1] =	stream.indirect_vreg.gather [hbm4b:s5+s3], $0x80, v4, vm0, $0xb8;
	[tilespmem:$0x10180] =	vst v63  }
0x13a: {  	_ = 	snop  }
0x13b: {  	[tilespmem:s25], [sflag:$0x1] =	stream.indirect_vreg.gather [hbm4b:s1+s3], $0x80, v3, vm0, $0xb8;
	[tilespmem:$0x10180] =	vst v63  }
0x13c: {  	_ = 	snop  }
0x13d: {  	[tilespmem:s26], [sflag:$0x1] =	stream.indirect_vreg.gather [hbm4b:s5+s3], $0x80, v3, vm0, $0xb8;
	[tilespmem:$0x10180] =	vst v63  }
0x13e: {  	v3 =	vld [tilespmem:$0x120];
	_ =	sdelay $0x4  }
0x13f: {  	v58 =	vshll.u32 v3, $0x2  }
0x140: {  	v3 =	vand.u32 $0x7, v3;
	v4 =	vand.u32 $0xFFFFFFE0, v58  }
0x141: {  	v3 =	vor.u32 v3, v4  }
0x142: {  	v4 =	vperm.xlane v3, v0;
	_ =	sdelay $0x1  }
0x143: {  	v4 =	vadd.s32 v1, v4;
	_ =	sdelay $0x1  }
0x144: {  	v3 =	vperm.xlane v3, v2;
	_ =	sdelay $0x1  }
0x145: {  	v3 =	vadd.s32 v1, v3  }
0x146: {  	[tilespmem:s28], [sflag:$0x1] =	stream.indirect_vreg.gather [hbm4b:s1+s3], $0x80, v4, vm0, $0xb8;
	[tilespmem:$0x10180] =	vst v63  }
0x147: {  	_ = 	snop  }
0x148: {  	[tilespmem:s29], [sflag:$0x1] =	stream.indirect_vreg.gather [hbm4b:s5+s3], $0x80, v4, vm0, $0xb8;
	[tilespmem:$0x10180] =	vst v63  }
0x149: {  	_ = 	snop  }
0x14a: {  	[tilespmem:s30], [sflag:$0x1] =	stream.indirect_vreg.gather [hbm4b:s1+s3], $0x80, v3, vm0, $0xb8;
	[tilespmem:$0x10180] =	vst v63  }
0x14b: {  	_ = 	snop  }
0x14c: {  	[tilespmem:s31], [sflag:$0x1] =	stream.indirect_vreg.gather [hbm4b:s5+s3], $0x80, v3, vm0, $0xb8;
	[tilespmem:$0x10180] =	vst v63  }
0x14d: {  	v3 =	vld [tilespmem:$0x130];
	_ =	sdelay $0x4  }
0x14e: {  	v59 =	vshll.u32 v3, $0x2  }
0x14f: {  	v3 =	vand.u32 $0x7, v3;
	v4 =	vand.u32 $0xFFFFFFE0, v59  }
0x150: {  	v3 =	vor.u32 v3, v4  }
0x151: {  	v4 =	vperm.xlane v3, v0;
	_ =	sdelay $0x1  }
0x152: {  	v4 =	vadd.s32 v1, v4;
	_ =	sdelay $0x1  }
0x153: {  	v3 =	vperm.xlane v3, v2;
	_ =	sdelay $0x1  }
0x154: {  	v3 =	vadd.s32 v1, v3  }
0x155: {  	[tilespmem:s2], [sflag:$0x1] =	stream.indirect_vreg.gather [hbm4b:s1+s3], $0x80, v4, vm0, $0xb8;
	[tilespmem:$0x10180] =	vst v63  }
0x156: {  	_ = 	snop  }
0x157: {  	[tilespmem:s8], [sflag:$0x1] =	stream.indirect_vreg.gather [hbm4b:s5+s3], $0x80, v4, vm0, $0xb8;
	[tilespmem:$0x10180] =	vst v63  }
0x158: {  	_ = 	snop  }
0x159: {  	[tilespmem:s4], [sflag:$0x1] =	stream.indirect_vreg.gather [hbm4b:s1+s3], $0x80, v3, vm0, $0xb8;
	[tilespmem:$0x10180] =	vst v63  }
0x15a: {  	_ = 	snop  }
0x15b: {  	[tilespmem:s7], [sflag:$0x1] =	stream.indirect_vreg.gather [hbm4b:s5+s3], $0x80, v3, vm0, $0xb8;
	[tilespmem:$0x10180] =	vst v63  }
0x15c: {  	_ =	swait.ge [sflag:s16], $0x8000  }
0x15d: {  	[sflag:s16] =	ssyncset.done $0x0  }
0x15e: {  	s2 =	rddreg [dreg:$0x7];
	[sflag:s16] =	ssyncadd.s32 $0xFFFF8000  }
0x15f: {  	[hbm4b:s2+s3] =	stream.linear.scatter [tilespmem:s0], [sflag:$0x4], $0x8000, $0x38;
	[tilespmem:$0x10180] =	vst v63  }
0x160: {  	_ =	swait.ge [sflag:s17], $0x8000  }
0x161: {  	[sflag:s17] =	ssyncset.done $0x0  }
0x162: {  	[sflag:s17] =	ssyncadd.s32 $0xFFFF8000  }
0x163: {  	v3 =	vld [tilespmem:$0x140];
	_ =	sdelay $0x4  }
0x164: {  	v60 =	vshll.u32 v3, $0x2  }
0x165: {  	v3 =	vand.u32 $0x7, v3;
	v4 =	vand.u32 $0xFFFFFFE0, v60  }
0x166: {  	v3 =	vor.u32 v3, v4  }
0x167: {  	v4 =	vperm.xlane v3, v0;
	_ =	sdelay $0x1  }
0x168: {  	v4 =	vadd.s32 v1, v4;
	_ =	sdelay $0x1  }
0x169: {  	v3 =	vperm.xlane v3, v2;
	_ =	sdelay $0x1  }
0x16a: {  	v3 =	vadd.s32 v1, v3  }
0x16b: {  	[tilespmem:s0], [sflag:$0x2] =	stream.indirect_vreg.gather [hbm4b:s1+s3], $0x80, v4, vm0, $0xb8;
	[tilespmem:$0x10180] =	vst v63  }
0x16c: {  	_ = 	snop  }
0x16d: {  	[tilespmem:s9], [sflag:$0x2] =	stream.indirect_vreg.gather [hbm4b:s5+s3], $0x80, v4, vm0, $0xb8;
	[tilespmem:$0x10180] =	vst v63  }
0x16e: {  	_ = 	snop  }
0x16f: {  	[tilespmem:s10], [sflag:$0x2] =	stream.indirect_vreg.gather [hbm4b:s1+s3], $0x80, v3, vm0, $0xb8;
	[tilespmem:$0x10180] =	vst v63  }
0x170: {  	_ = 	snop  }
0x171: {  	[tilespmem:s11], [sflag:$0x2] =	stream.indirect_vreg.gather [hbm4b:s5+s3], $0x80, v3, vm0, $0xb8;
	[tilespmem:$0x10180] =	vst v63  }
0x172: {  	v3 =	vld [tilespmem:$0x150];
	_ =	sdelay $0x4  }
0x173: {  	v61 =	vshll.u32 v3, $0x2  }
0x174: {  	v3 =	vand.u32 $0x7, v3;
	v4 =	vand.u32 $0xFFFFFFE0, v61  }
0x175: {  	v3 =	vor.u32 v3, v4  }
0x176: {  	v4 =	vperm.xlane v3, v0;
	_ =	sdelay $0x1  }
0x177: {  	v4 =	vadd.s32 v1, v4;
	_ =	sdelay $0x1  }
0x178: {  	v3 =	vperm.xlane v3, v2;
	_ =	sdelay $0x1  }
0x179: {  	v3 =	vadd.s32 v1, v3  }
0x17a: {  	[tilespmem:s12], [sflag:$0x2] =	stream.indirect_vreg.gather [hbm4b:s1+s3], $0x80, v4, vm0, $0xb8;
	[tilespmem:$0x10180] =	vst v63  }
0x17b: {  	_ = 	snop  }
0x17c: {  	[tilespmem:s13], [sflag:$0x2] =	stream.indirect_vreg.gather [hbm4b:s5+s3], $0x80, v4, vm0, $0xb8;
	[tilespmem:$0x10180] =	vst v63  }
0x17d: {  	s18 =	simm.s32 $0xB180  }
0x17e: {  	[tilespmem:s18], [sflag:$0x2] =	stream.indirect_vreg.gather [hbm4b:s1+s3], $0x80, v3, vm0, $0xb8;
	[tilespmem:$0x10180] =	vst v63  }
0x17f: {  	s18 =	simm.s32 $0xB980  }
0x180: {  	[tilespmem:s18], [sflag:$0x2] =	stream.indirect_vreg.gather [hbm4b:s5+s3], $0x80, v3, vm0, $0xb8;
	[tilespmem:$0x10180] =	vst v63  }
0x181: {  	v3 =	vld [tilespmem:$0x160];
	_ =	sdelay $0x4  }
0x182: {  	v62 =	vshll.u32 v3, $0x2  }
0x183: {  	v3 =	vand.u32 $0x7, v3;
	v4 =	vand.u32 $0xFFFFFFE0, v62  }
0x184: {  	v3 =	vor.u32 v3, v4  }
0x185: {  	v4 =	vperm.xlane v3, v0;
	_ =	sdelay $0x1  }
0x186: {  	v4 =	vadd.s32 v1, v4;
	_ =	sdelay $0x1  }
0x187: {  	v3 =	vperm.xlane v3, v2;
	_ =	sdelay $0x1  }
0x188: {  	s18 =	simm.s32 $0xC180;
	v3 =	vadd.s32 v1, v3  }
0x189: {  	[tilespmem:s18], [sflag:$0x2] =	stream.indirect_vreg.gather [hbm4b:s1+s3], $0x80, v4, vm0, $0xb8;
	[tilespmem:$0x10180] =	vst v63  }
0x18a: {  	s18 =	simm.s32 $0xC980  }
0x18b: {  	[tilespmem:s18], [sflag:$0x2] =	stream.indirect_vreg.gather [hbm4b:s5+s3], $0x80, v4, vm0, $0xb8;
	[tilespmem:$0x10180] =	vst v63  }
0x18c: {  	s18 =	simm.s32 $0xD180  }
0x18d: {  	[tilespmem:s18], [sflag:$0x2] =	stream.indirect_vreg.gather [hbm4b:s1+s3], $0x80, v3, vm0, $0xb8;
	[tilespmem:$0x10180] =	vst v63  }
0x18e: {  	s18 =	simm.s32 $0xD980  }
0x18f: {  	[tilespmem:s18], [sflag:$0x2] =	stream.indirect_vreg.gather [hbm4b:s5+s3], $0x80, v3, vm0, $0xb8;
	[tilespmem:$0x10180] =	vst v63  }
0x190: {  	v3 =	vld [tilespmem:$0x170];
	_ =	sdelay $0x4  }
0x191: {  	v63 =	vshll.u32 v3, $0x2  }
0x192: {  	v3 =	vand.u32 $0x7, v3;
	v4 =	vand.u32 $0xFFFFFFE0, v63  }
0x193: {  	v3 =	vor.u32 v3, v4  }
0x194: {  	v4 =	vperm.xlane v3, v0;
	_ =	sdelay $0x1  }
0x195: {  	v4 =	vadd.s32 v1, v4;
	_ =	sdelay $0x1  }
0x196: {  	v3 =	vperm.xlane v3, v2;
	_ =	sdelay $0x1  }
0x197: {  	s18 =	simm.s32 $0xE180;
	v3 =	vadd.s32 v1, v3  }
0x198: {  	[tilespmem:s18], [sflag:$0x2] =	stream.indirect_vreg.gather [hbm4b:s1+s3], $0x80, v4, vm0, $0xb8;
	[tilespmem:$0x10180] =	vst v63  }
0x199: {  	s18 =	simm.s32 $0xE980  }
0x19a: {  	[tilespmem:s18], [sflag:$0x2] =	stream.indirect_vreg.gather [hbm4b:s5+s3], $0x80, v4, vm0, $0xb8;
	[tilespmem:$0x10180] =	vst v63  }
0x19b: {  	s18 =	simm.s32 $0xF180  }
0x19c: {  	[tilespmem:s18], [sflag:$0x2] =	stream.indirect_vreg.gather [hbm4b:s1+s3], $0x80, v3, vm0, $0xb8;
	[tilespmem:$0x10180] =	vst v63  }
0x19d: {  	s18 =	simm.s32 $0xF980  }
0x19e: {  	[tilespmem:s18], [sflag:$0x2] =	stream.indirect_vreg.gather [hbm4b:s5+s3], $0x80, v3, vm0, $0xb8;
	[tilespmem:$0x10180] =	vst v63  }
0x19f: {  	_ =	swait.ge [sflag:s14], $0x8000  }
0x1a0: {  	[sflag:s14] =	ssyncset.done $0x0  }
0x1a1: {  	s2 =	rddreg [dreg:$0x8];
	[sflag:s14] =	ssyncadd.s32 $0xFFFF8000  }
0x1a2: {  	[hbm4b:s2+s3] =	stream.linear.scatter [tilespmem:s24], [sflag:$0x3], $0x8000, $0x38;
	[tilespmem:$0x10180] =	vst v63  }
0x1a3: {  	_ =	swait.ge [sflag:s16], $0x8000  }
0x1a4: {  	[sflag:s16] =	ssyncset.done $0x0  }
0x1a5: {  	s2 =	rddreg [dreg:$0x9];
	[sflag:s16] =	ssyncadd.s32 $0xFFFF8000  }
0x1a6: {  	[hbm4b:s2+s3] =	stream.linear.scatter [tilespmem:s0], [sflag:$0x4], $0x8000, $0x38;
	[tilespmem:$0x10180] =	vst v63  }
0x1a7: {  	p0 =	sne.s32 s6, $0x1;
	_ =	swait.ge [sflag:s17], $0x8000  }
.Ltmp0:
0x1a8: {  	[sflag:s17] =	ssyncset.done $0x0;
	(pc) =	sbr.rel @p0 .LBB2_1-.Ltmp0, $4  }
0x1a9: {  	[sflag:s17] =	ssyncadd.s32 $0xFFFF8000  }
0x1aa: {  	_ =	swait.ge [sflag:s15], $0x8000  }
0x1ab: {  	[sflag:s15] =	ssyncset.done $0x0  }
0x1ac: {  	s6 =	sadd.s32 $0xFFFFFFFF, s6;
	[sflag:s15] =	ssyncadd.s32 $0xFFFF8000  }
0x1ad: {  	_ =	sfence.sel $0x180000  }
0x1ae: {  	[bflag:$0x0] =	sbarrier.arrive $0xFFFF  }
0x1af: {  	_ =	strace $0x90000047  }
0x1b0: {  	s0 =	stileid.u32;
	[bflag:$0x2] =	sbarrier.arrive $0xFFFF  }
0x1b1: {  	p0 =	sne.s32 s0, $0x0;
	s0 =	rddreg [dreg:$0x3]  }
0x1b2: {  	s0 =	sadd.s32 @!p0 $0x100000, s0  }
0x1b3: {  	[sflag:s0] =	ssyncadd.tile.s32 @!p0 $0x1;
	_ =	shalt  }
.Lfunc_end2:
_tile_overlayer_lowered:
.L_overlay_start_2:
0x1b4: {  	(tag) =	ssettag $0x2  }
0x1b5: {  	s0 =	rddreg [dreg:$0x0];
	s2 =	stileid.u32  }
0x1b6: {  	s1 =	rddreg [dreg:$0x1];
	p0 =	sne.s32 s2, $0x0  }
0x1b7: {  	s3 =	rddreg [dreg:$0x2];
	[bflag:$0x3] =	sbarrier.arrive $0xFFFF;
	s2 =	simm.s32 @!p0 $0x1C05  }
0x1b8: {  	[timem:s3], [sflag:s2] =	dma.local @!p0 [hbm:s0], s1  }
0x1b9: {  	s0 =	simm.s32 @!p0 $0x5  }
0x1ba: {  	_ =	swait.ge @!p0 [sflag:s0], s1  }
0x1bb: {  	s1 =	ssub.s32 @!p0 $0x0, s1;
	[sflag:s0] =	ssyncset.done @!p0 $0x0  }
0x1bc: {  	[sflag:s0] =	ssyncadd.s32 @!p0 s1  }
0x1bd: {  	[bflag:$0x3] =	sbarrier.arrive $0xFFFF  }
0x1be: {  	_ =	shalt  }

// kernel: kernel.9.cloned.1.call-start
scs
__scs_entry_jumppad:
0x0: {  	(pc) =	sbr.rel $0x88, $3  }
0x1: {  	(tag) =	ssettag $0x0;
	lr =	simm.s32 $0x1  }
0x2: {  	[smem:$0x3F9F] =	sst lr;
	_ =	strace $0xD0000000  }
0x3: {  	_ = 	snop  }
0x4: {  	_ = 	snop  }
0x5: {  	_ = 	snop  }
0x6: {  	_ = 	snop  }
0x7: {  	_ = 	snop  }
__scs_overlays_trampoline_lowered:
0x8: {  	[smem:$0x3FAE] =	sst s0  }
0x9: {  	[smem:$0x3FAF] =	sst s1  }
0xa: {  	[smem:$0x3FB0] =	sst s2  }
0xb: {  	[smem:$0x3FB1] =	sst s3  }
0xc: {  	[smem:$0x3FB2] =	sst s4  }
0xd: {  	[smem:$0x3FB3] =	sst s5  }
0xe: {  	[smem:$0x3FB4] =	sst s6  }
0xf: {  	[smem:$0x3FB5] =	sst s7  }
0x10: {  	[smem:$0x3FB6] =	sst s8  }
0x11: {  	[smem:$0x3FB7] =	sst s9;
	s0 =	simm.s32 @!p0 $0x0  }
0x12: {  	s1 =	sld [smem:$0x3F9D];
	s0 =	simm.s32 @p0 $0x1  }
0x13: {  	[smem:$0x3FB8] =	sst s0;
	s0 =	simm.s32 @!p1 $0x0  }
0x14: {  	s2 =	sld [smem:$0x3F9C];
	s0 =	simm.s32 @p1 $0x1  }
0x15: {  	[smem:$0x3FB9] =	sst s0;
	s0 =	simm.s32 @!p2 $0x0  }
0x16: {  	s3 =	sld [smem:$0x3FDB];
	s0 =	simm.s32 @p2 $0x1  }
0x17: {  	s4 =	simm.s32 $0x1BF5;
	[smem:$0x3FBB] =	sst s0  }
0x18: {  	s0 =	sld [smem:$0x3F9E];
	_ =	swait.ge [sflag:s4], $0x0  }
0x19: {  	s7 =	sld [smem:$0x3F9F]  }
0x1a: {  	s8 =	sadd.s32 $0xFFFFE003, lr  }
0x1b: {  	s9 =	sadd.s32 $0xFFFFFEF7, lr;
	s5 =	simm.s32 $0xFFFFFFFF;
	p2 =	slt.u32 s8, $0xFFFFF086  }
0x1c: {  	p1 =	slt.u32 s9, $0xF7A;
	s5 =	simm.s32 @!p2 $0x0  }
0x1d: {  	s5 =	simm.s32 @p1 $0x1;
	p0 =	seq.s32 s7, s2  }
0x1e: {  	s7 =	smul.u32 @!p0 $0xF7A, s2;
	p2 =	seq.s32 @!p0 s5, $0x0  }
0x1f: {  	s9 =	smul.u32 $0xF7A, s1;
	s8 =	simm.s32 @!p0 $0x1BF5;
	p2 =	por !p2, p0  }
0x20: {  	[sflag:s8] =	ssyncset.s32 @!p0 $0xFFFFF086;
	s6 =	sadd.s32 @!p0 s3, s7;
	s7 =	simm.s32 @!p0 $0x108  }
0x21: {  	s3 =	sadd.s32 s3, s9;
	s6 =	sadd.s32 @!p0 $0x88, s6;
	s7 =	simm.s32 @p2 $0x1082  }
0x22: {  	[simem:s7], [sflag:s8] =	dma.local @!p0 [hbm:s6], $0xF7A  }
0x23: {  	s9 =	sor.u32 $0xD0000000, s2;
	s6 =	simm.s32 $0x108;
	_ =	swait.ge @!p0 [sflag:s8], $0x0  }
0x24: {  	s3 =	sadd.s32 $0x88, s3;
	s6 =	simm.s32 @!p1 $0x1082;
	[sflag:s4] =	ssyncset.s32 $0xFFFFF086  }
0x25: {  	[simem:s6], [sflag:s4] =	dma.local [hbm:s3], $0xF7A  }
0x26: {  	[smem:$0x3F9F] =	sst s1;
	(tag) =	ssettag s2;
	_ =	strace s9  }
0x27: {  	s1 =	sld [smem:$0x3FAF]  }
0x28: {  	s2 =	sld [smem:$0x3FB0]  }
0x29: {  	s4 =	sld [smem:$0x3FB2]  }
0x2a: {  	p0 =	seq.s32 s5, $0x0;
	s5 =	sld [smem:$0x3FB3]  }
0x2b: {  	s6 =	sld [smem:$0x3FB4]  }
0x2c: {  	s7 =	sld [smem:$0x3FB5]  }
0x2d: {  	s3 =	simm.s32 $0x108;
	s8 =	sld [smem:$0x3FB6]  }
0x2e: {  	s3 =	simm.s32 @!p0 $0x1082;
	s9 =	sld [smem:$0x3FB7]  }
0x2f: {  	lr =	sadd.s32 s0, s3;
	s0 =	sld [smem:$0x3FAE]  }
0x30: {  	s3 =	sld [smem:$0x3FB1]  }
0x31: {  	[smem:$0x3FBA] =	sst s10  }
0x32: {  	s10 =	sld [smem:$0x3FB8];
	_ =	sdelay $0x3  }
0x33: {  	p0 =	seq.s32 s10, $0x1;
	s10 =	sld [smem:$0x3FBA];
	_ =	sdelay $0x3  }
0x34: {  	[smem:$0x3FBA] =	sst s10  }
0x35: {  	s10 =	sld [smem:$0x3FB9];
	_ =	sdelay $0x3  }
0x36: {  	p1 =	seq.s32 s10, $0x1;
	s10 =	sld [smem:$0x3FBA];
	_ =	sdelay $0x3  }
0x37: {  	[smem:$0x3FBA] =	sst s10  }
0x38: {  	s10 =	sld [smem:$0x3FBB]  }
0x39: {  	_ = 	snop;
	(pc) =	sbr.ind lr, $3  }
0x3a: {  	_ = 	snop  }
0x3b: {  	_ = 	snop  }
0x3c: {  	p2 =	seq.s32 s10, $0x1;
	s10 =	sld [smem:$0x3FBA]  }
0x3d: {  	_ =	shalt  }
0x3e: {  	_ =	shalt  }
0x3f: {  	_ =	shalt  }
0x40: {  	_ =	shalt  }
0x41: {  	_ =	shalt  }
0x42: {  	_ =	shalt  }
0x43: {  	_ =	shalt  }
0x44: {  	_ =	shalt  }
0x45: {  	_ =	shalt  }
0x46: {  	_ =	shalt  }
0x47: {  	_ =	shalt  }
0x48: {  	_ =	shalt  }
0x49: {  	_ =	shalt  }
0x4a: {  	_ =	shalt  }
0x4b: {  	_ =	shalt  }
0x4c: {  	_ =	shalt  }
0x4d: {  	_ =	shalt  }
0x4e: {  	_ =	shalt  }
0x4f: {  	_ =	shalt  }
0x50: {  	_ =	shalt  }
0x51: {  	_ =	shalt  }
0x52: {  	_ =	shalt  }
0x53: {  	_ =	shalt  }
0x54: {  	_ =	shalt  }
0x55: {  	_ =	shalt  }
0x56: {  	_ =	shalt  }
0x57: {  	_ =	shalt  }
0x58: {  	_ =	shalt  }
0x59: {  	_ =	shalt  }
0x5a: {  	_ =	shalt  }
0x5b: {  	_ =	shalt  }
0x5c: {  	_ =	shalt  }
0x5d: {  	_ =	shalt  }
0x5e: {  	_ =	shalt  }
0x5f: {  	_ =	shalt  }
0x60: {  	_ =	shalt  }
0x61: {  	_ =	shalt  }
0x62: {  	_ =	shalt  }
0x63: {  	_ =	shalt  }
0x64: {  	_ =	shalt  }
0x65: {  	_ =	shalt  }
0x66: {  	_ =	shalt  }
0x67: {  	_ =	shalt  }
0x68: {  	_ =	shalt  }
0x69: {  	_ =	shalt  }
0x6a: {  	_ =	shalt  }
0x6b: {  	_ =	shalt  }
0x6c: {  	_ =	shalt  }
0x6d: {  	_ =	shalt  }
0x6e: {  	_ =	shalt  }
0x6f: {  	_ =	shalt  }
0x70: {  	_ =	shalt  }
0x71: {  	_ =	shalt  }
0x72: {  	_ =	shalt  }
0x73: {  	_ =	shalt  }
0x74: {  	_ =	shalt  }
0x75: {  	_ =	shalt  }
0x76: {  	_ =	shalt  }
0x77: {  	_ =	shalt  }
0x78: {  	_ =	shalt  }
0x79: {  	_ =	shalt  }
0x7a: {  	_ =	shalt  }
0x7b: {  	_ =	shalt  }
0x7c: {  	_ =	shalt  }
0x7d: {  	_ =	shalt  }
0x7e: {  	_ =	shalt  }
0x7f: {  	_ =	shalt  }
0x80: {  	_ =	shalt  }
0x81: {  	_ =	shalt  }
0x82: {  	_ =	shalt  }
0x83: {  	_ =	shalt  }
0x84: {  	_ =	shalt  }
0x85: {  	_ =	shalt  }
0x86: {  	_ =	shalt  }
0x87: {  	_ =	shalt  }
.Lfunc_end0:
.L_simem_size_0:
called_computation.1_lowered:
.L_overlay_start_0:
0x88: {  	s2 =	sld [smem:$0x3FD9]  }
0x89: {  	s3 =	sld [smem:$0x3FFE];
	_ =	sdelay $0x1  }
0x8a: {  	s1 =	srdreg.scid  }
0x8b: {  	s0 =	sand.u32 $0x1, s1  }
0x8c: {  	s14 =	sshll.u32 s0, $0xA;
	s2 =	sadd.s32 s3, s2  }
0x8d: {  	s2 =	sadd.s32 s2, s14  }
0x8e: {  	[smem:$0x3FC6] =	sst s2  }
0x8f: {  	_ = 	snop  }
0x90: {  	s2 =	sld [smem:$0x3FD0];
	_ =	sdelay $0x2  }
0x91: {  	s4 =	simm.s32 $0xA;
	s5 =	simm.s32 $0x10;
	s15 =	sld [smem:$0x3FC8]  }
0x92: {  	[smem:s5], [sflag:s4] =	dma.local [hbm:s2], $0x1  }
0x93: {  	_ =	swait.eq [sflag:s4], $0x1  }
0x94: {  	[sflag:s4] =	ssyncset.done $0x0  }
0x95: {  	[sflag:s4] =	ssyncadd.s32 $0xFFFFFFFF  }
0x96: {  	s16 =	sld [smem:$0x10];
	(tm) =	ssettm $0x1  }
0x97: {  	s17 =	sld [smem:$0x3FFB];
	_ =	sdelay $0x3  }
0x98: {  	_ =	strace s17  }
0x99: {  	s4 =	sld [smem:$0x3FFC];
	_ =	sdelay $0x3  }
0x9a: {  	_ =	strace s4  }
0x9b: {  	s4 =	sld [smem:$0x3FFD];
	_ =	sdelay $0x3  }
0x9c: {  	_ =	strace s4  }
0x9d: {  	_ =	strace $0x8FFFFFFF  }
0x9e: {  	s18 =	sld [smem:$0x3FDB];
	_ =	sdelay $0x1  }
0x9f: {  	s19 =	simm.s32 $_scs_section_size  }
0xa0: {  	s6 =	simm.s32 $_size__tile_overlayer_lowered;
	s7 =	simm.s32 $_tile_overlayer_lowered  }
0xa1: {  	s22 =	simm.s32 $0x1BFF;
	s21 =	sshll.u32 s7, $0x1;
	s4 =	sadd.s32 s19, s18  }
0xa2: {  	s8 =	simm.s32 $0x0;
	s20 =	sshll.u32 s6, $0x1;
	s6 =	sadd.s32 s21, s4  }
0xa3: {  	[timem:s8], [sflag:s22] =	dma.local [hbm:s6], s20  }
0xa4: {  	_ =	swait.ge [sflag:s22], s20  }
0xa5: {  	s5 =	ssub.s32 $0x0, s20;
	[sflag:s22] =	ssyncset.done $0x0  }
0xa6: {  	[sflag:s22] =	ssyncadd.s32 s5;
	_ =	sdelay $0x1  }
0xa7: {  	s23 =	simm.s32 $0x1B8B  }
0xa8: {  	_ =	swait.ge [sflag:s23], $0x1  }
0xa9: {  	[sflag:s23] =	ssyncset.done $0x0  }
0xaa: {  	s25 =	simm.s32 $0x1B8E;
	s24 =	sld [smem:$0x3FFE];
	[sflag:s23] =	ssyncadd.s32 $0xFFFFFFFF  }
0xab: {  	s26 =	simm.s32 $execute0_lowered;
	[smem:$0x3FD2] =	sst s25  }
0xac: {  	s6 =	sshll.u32 s26, $0x1;
	_ =	strace $0x80000049;
	[dreg:$0x1] =	wrdreg $0xFFFFFFFF  }
0xad: {  	s28 =	simm.s32 $_size_execute0_lowered;
	s4 =	sadd.s32 s4, s6;
	[dreg:$0x0] =	wrdreg $0x0  }
0xae: {  	s6 =	sshll.u32 s28, $0x1;
	[dreg:$0x2] =	wrdreg s4  }
0xaf: {  	[dreg:$0x3] =	wrdreg s6  }
0xb0: {  	[dreg:$0x4] =	wrdreg $0xC0  }
0xb1: {  	_ =	task [dreg:s8], $0x5FFFF  }
0xb2: {  	[dreg:$0x1] =	wrdreg $0xFFFFFFFF  }
0xb3: {  	[dreg:$0x0] =	wrdreg $0x60  }
0xb4: {  	[dreg:$0x2] =	wrdreg s15  }
0xb5: {  	[dreg:$0x3] =	wrdreg s24  }
0xb6: {  	[dreg:$0x4] =	wrdreg s16  }
0xb7: {  	[dreg:$0x5] =	wrdreg $0x9  }
0xb8: {  	_ =	task.clear_ibuf [dreg:s8], $0x6FFFF;
	_ =	strace $0x90000049  }
0xb9: {  	s29 =	simm.s32 $0x9;
	_ =	strace $0x8000004B  }
0xba: {  	_ =	swait.ge [sflag:s29], $0x1  }
0xbb: {  	[sflag:s29] =	ssyncadd.s32 $0xFFFFFFFF  }
0xbc: {  	_ =	strace $0x9000004B  }
0xbd: {  	_ =	sfence  }
0xbe: {  	s30 =	sld [smem:$0x0];
	_ =	sdelay $0x2  }
0xbf: {  	s31 =	sshll.u32 s1, $0xD;
	s1 =	sshrl.u32 s1, $0x2  }
0xc0: {  	s3 =	sand.u32 $0x4000, s31;
	s1 =	sadd.s32 s1, s30  }
0xc1: {  	s0 =	sor.u32 s3, s0;
	s1 =	sshll.u32 s1, $0x11  }
0xc2: {  	s0 =	sor.u32 s1, s0  }
0xc3: {  	s0 =	sadd.s32 $0x8F2B, s0  }
0xc4: {  	[sflag:s0] =	ssyncadd.remote.s32 $0x1  }
0xc5: {  	_ =	sfence.sel $0xFFFF  }
0xc6: {  	[dreg:$0x0] =	wrdreg $0xFFFFFFFF;
	(pc) =	sbr.abs _section_cstart, $3  }
0xc7: {  	[dreg:$0x1] =	wrdreg $0xFFFFFFFF  }
0xc8: {  	_ =	task.clear_ibuf [dreg:s8], $0x2FFFF;
	_ =	strace $0x9FFFFFFF  }
0xc9: {  	(tm) =	ssettm $0x7FFFFFFF  }
tec
execute0_lowered:
.L_overlay_start_1:
0x0: {  	(tag) =	ssettag $0x1  }
0x1: {  	s1 =	rddreg [dreg:$0x0]  }
0x2: {  	s2 =	srdreg.scid;
	s4 =	rddreg [dreg:$0x1]  }
0x3: {  	s0 =	stileid.u32;
	s6 =	rddreg [dreg:$0x2]  }
0x4: {  	s15 =	simm.s32 $0x880;
	s16 =	simm.s32 $0x1080;
	s17 =	simm.s32 $0x1880  }
0x5: {  	s18 =	simm.s32 $0x2080;
	s19 =	simm.s32 $0x2880;
	s2 =	sand.u32 $0x1, s2  }
0x6: {  	s20 =	simm.s32 $0x3080;
	s3 =	sshll.u32 s0, $0x8;
	s5 =	sshll.u32 s2, $0x7  }
0x7: {  	s21 =	simm.s32 $0x3880;
	s5 =	sor.u32 s5, s3;
	s3 =	simm.s32 $0x0  }
0x8: {  	s23 =	simm.s32 $0x4080;
	s24 =	simm.s32 $0x4880;
	[smem:$0x7FF] =	sst s3  }
0x9: {  	s25 =	simm.s32 $0x5080;
	_ =	strace $0x8000004A;
	[dreg:$0x7] =	wrdreg s15  }
0xa: {  	s26 =	simm.s32 $0x5880;
	s9 =	simm.s32 $0x6880;
	[dreg:$0x8] =	wrdreg s16  }
0xb: {  	s10 =	simm.s32 $0x7080;
	s11 =	simm.s32 $0x7880;
	[dreg:$0x9] =	wrdreg s17  }
0xc: {  	s12 =	simm.s32 $0x8080;
	s28 =	simm.s32 $0xF880;
	[dreg:$0xa] =	wrdreg s18  }
0xd: {  	s29 =	simm.s32 $0x1;
	s30 =	simm.s32 $0x2;
	[dreg:$0xb] =	wrdreg s19  }
0xe: {  	s31 =	simm.s32 $0x4;
	s2 =	ssub.s32 $0x2, s2;
	[dreg:$0xc] =	wrdreg s20  }
0xf: {  	s22 =	sshrl.u32 s2, $0x1;
	s7 =	sshrl.u32 s5, $0x3;
	[dreg:$0xd] =	wrdreg s21  }
0x10: {  	s5 =	sshll.u32 s5, $0x6;
	s2 =	ssub.s32 s2, s22;
	[dreg:$0xe] =	wrdreg s23  }
0x11: {  	s22 =	simm.s32 $0xD080;
	s4 =	sadd.s32 s7, s4;
	[dreg:$0xf] =	wrdreg s24  }
0x12: {  	s5 =	sadd.s32 s5, s6;
	[dreg:$0x10] =	wrdreg s25;
	s6 =	simm.s32 $0x5  }
0x13: {  	s7 =	simm.s32 $0x80;
	[dreg:$0x11] =	wrdreg s26;
	s15 =	simm.s32 $0x9880  }
0x14: {  	s16 =	simm.s32 $0xA080;
	s17 =	simm.s32 $0xA880;
	s18 =	simm.s32 $0xB080  }
0x15: {  	s19 =	simm.s32 $0xB880;
	s20 =	simm.s32 $0xC080;
	s21 =	simm.s32 $0xC880  }
0x16: {  	s23 =	simm.s32 $0xD880;
	s24 =	simm.s32 $0xE080;
	s4 =	sadd.s32 $0x1E00, s4  }
0x17: {  	s25 =	simm.s32 $0xE880;
	s13 =	sadd.s32 $0xC0000, s5;
	[dreg:$0x4] =	wrdreg s4  }
0x18: {  	v2 =	vlaneseq.u32;
	s26 =	simm.s32 $0xF080;
	s14 =	sadd.s32 $0xC1000, s5;
	[dreg:$0x5] =	wrdreg s13  }
0x19: {  	vm0 =	vmmov $0xffff;
	v1 =	vshrl.u32 v2, $0x3;
	s5 =	smax.u32 s2, $0x1;
	s2 =	simm.s32 $0x3;
	[dreg:$0x6] =	wrdreg s14  }
0x1a: {  	v0 =	vand.u32 $0x7, v2;
	v2 =	vor.u32 $0x8, v2;
	v1 =	vmul.u32 $0x8, v1;
	s4 =	sadd.s32 $0x100, s1;
	s13 =	simm.s32 $0x8880;
	s14 =	simm.s32 $0x9080  }
.LBB2_1:
0x1b: {  	s0 =	rddreg [dreg:$0x4]  }
0x1c: {  	[tilespmem:s3], [sflag:$0x5] =	stream.linear.gather [hbm4b:s0+s3], $0x80, $0x38;
	[tilespmem:$0x10080] =	vst v63  }
0x1d: {  	_ =	swait.ge [sflag:s6], $0x80  }
0x1e: {  	[sflag:s6] =	ssyncset.done $0x0  }
0x1f: {  	[sflag:s6] =	ssyncadd.s32 $0xFFFFFF80  }
0x20: {  	v3 =	vld [tilespmem:$0x0];
	_ =	sdelay $0x4  }
0x21: {  	v4 =	vshll.u32 v3, $0x2  }
0x22: {  	v3 =	vand.u32 $0x7, v3;
	v4 =	vand.u32 $0xFFFFFFE0, v4  }
0x23: {  	v3 =	vor.u32 v3, v4  }
0x24: {  	v4 =	vperm.xlane v3, v0;
	_ =	sdelay $0x1  }
0x25: {  	v4 =	vadd.s32 v1, v4;
	_ =	sdelay $0x1  }
0x26: {  	v3 =	vperm.xlane v3, v2;
	_ =	sdelay $0x1  }
0x27: {  	v3 =	vadd.s32 v1, v3  }
0x28: {  	[tilespmem:s7], [sflag:$0x1] =	stream.indirect_vreg.gather [hbm4b:s1+s3], $0x80, v4, vm0, $0xb8;
	[tilespmem:$0x10080] =	vst v63  }
0x29: {  	s0 =	rddreg [dreg:$0x7]  }
0x2a: {  	[tilespmem:s0], [sflag:$0x1] =	stream.indirect_vreg.gather [hbm4b:s4+s3], $0x80, v4, vm0, $0xb8;
	[tilespmem:$0x10080] =	vst v63  }
0x2b: {  	s8 =	rddreg [dreg:$0x8]  }
0x2c: {  	[tilespmem:s8], [sflag:$0x1] =	stream.indirect_vreg.gather [hbm4b:s1+s3], $0x80, v3, vm0, $0xb8;
	[tilespmem:$0x10080] =	vst v63  }
0x2d: {  	s0 =	rddreg [dreg:$0x9]  }
0x2e: {  	[tilespmem:s0], [sflag:$0x1] =	stream.indirect_vreg.gather [hbm4b:s4+s3], $0x80, v3, vm0, $0xb8;
	[tilespmem:$0x10080] =	vst v63  }
0x2f: {  	v3 =	vld [tilespmem:$0x10];
	_ =	sdelay $0x4  }
0x30: {  	v57 =	vshll.u32 v3, $0x2  }
0x31: {  	v3 =	vand.u32 $0x7, v3;
	v4 =	vand.u32 $0xFFFFFFE0, v57  }
0x32: {  	v3 =	vor.u32 v3, v4  }
0x33: {  	v4 =	vperm.xlane v3, v0;
	_ =	sdelay $0x1  }
0x34: {  	v4 =	vadd.s32 v1, v4;
	_ =	sdelay $0x1  }
0x35: {  	v3 =	vperm.xlane v3, v2;
	_ =	sdelay $0x1  }
0x36: {  	s0 =	rddreg [dreg:$0xa];
	v3 =	vadd.s32 v1, v3  }
0x37: {  	[tilespmem:s0], [sflag:$0x1] =	stream.indirect_vreg.gather [hbm4b:s1+s3], $0x80, v4, vm0, $0xb8;
	[tilespmem:$0x10080] =	vst v63  }
0x38: {  	s8 =	rddreg [dreg:$0xb]  }
0x39: {  	[tilespmem:s8], [sflag:$0x1] =	stream.indirect_vreg.gather [hbm4b:s4+s3], $0x80, v4, vm0, $0xb8;
	[tilespmem:$0x10080] =	vst v63  }
0x3a: {  	s0 =	rddreg [dreg:$0xc]  }
0x3b: {  	[tilespmem:s0], [sflag:$0x1] =	stream.indirect_vreg.gather [hbm4b:s1+s3], $0x80, v3, vm0, $0xb8;
	[tilespmem:$0x10080] =	vst v63  }
0x3c: {  	s8 =	rddreg [dreg:$0xd]  }
0x3d: {  	[tilespmem:s8], [sflag:$0x1] =	stream.indirect_vreg.gather [hbm4b:s4+s3], $0x80, v3, vm0, $0xb8;
	[tilespmem:$0x10080] =	vst v63  }
0x3e: {  	v3 =	vld [tilespmem:$0x20];
	_ =	sdelay $0x4  }
0x3f: {  	v58 =	vshll.u32 v3, $0x2  }
0x40: {  	v3 =	vand.u32 $0x7, v3;
	v4 =	vand.u32 $0xFFFFFFE0, v58  }
0x41: {  	v3 =	vor.u32 v3, v4  }
0x42: {  	v4 =	vperm.xlane v3, v0;
	_ =	sdelay $0x1  }
0x43: {  	v4 =	vadd.s32 v1, v4;
	_ =	sdelay $0x1  }
0x44: {  	v3 =	vperm.xlane v3, v2;
	_ =	sdelay $0x1  }
0x45: {  	s0 =	rddreg [dreg:$0xe];
	v3 =	vadd.s32 v1, v3  }
0x46: {  	[tilespmem:s0], [sflag:$0x1] =	stream.indirect_vreg.gather [hbm4b:s1+s3], $0x80, v4, vm0, $0xb8;
	[tilespmem:$0x10080] =	vst v63  }
0x47: {  	s8 =	rddreg [dreg:$0xf]  }
0x48: {  	[tilespmem:s8], [sflag:$0x1] =	stream.indirect_vreg.gather [hbm4b:s4+s3], $0x80, v4, vm0, $0xb8;
	[tilespmem:$0x10080] =	vst v63  }
0x49: {  	s0 =	rddreg [dreg:$0x10]  }
0x4a: {  	[tilespmem:s0], [sflag:$0x1] =	stream.indirect_vreg.gather [hbm4b:s1+s3], $0x80, v3, vm0, $0xb8;
	[tilespmem:$0x10080] =	vst v63  }
0x4b: {  	s8 =	rddreg [dreg:$0x11]  }
0x4c: {  	[tilespmem:s8], [sflag:$0x1] =	stream.indirect_vreg.gather [hbm4b:s4+s3], $0x80, v3, vm0, $0xb8;
	[tilespmem:$0x10080] =	vst v63  }
0x4d: {  	v3 =	vld [tilespmem:$0x30];
	_ =	sdelay $0x4  }
0x4e: {  	v59 =	vshll.u32 v3, $0x2  }
0x4f: {  	v3 =	vand.u32 $0x7, v3;
	v4 =	vand.u32 $0xFFFFFFE0, v59  }
0x50: {  	v3 =	vor.u32 v3, v4  }
0x51: {  	v4 =	vperm.xlane v3, v0;
	_ =	sdelay $0x1  }
0x52: {  	v4 =	vadd.s32 v1, v4;
	_ =	sdelay $0x1  }
0x53: {  	v3 =	vperm.xlane v3, v2;
	_ =	sdelay $0x1  }
0x54: {  	s8 =	simm.s32 $0x6080;
	v3 =	vadd.s32 v1, v3  }
0x55: {  	[tilespmem:s8], [sflag:$0x1] =	stream.indirect_vreg.gather [hbm4b:s1+s3], $0x80, v4, vm0, $0xb8;
	[tilespmem:$0x10080] =	vst v63  }
0x56: {  	_ = 	snop  }
0x57: {  	[tilespmem:s9], [sflag:$0x1] =	stream.indirect_vreg.gather [hbm4b:s4+s3], $0x80, v4, vm0, $0xb8;
	[tilespmem:$0x10080] =	vst v63  }
0x58: {  	_ = 	snop  }
0x59: {  	[tilespmem:s10], [sflag:$0x1] =	stream.indirect_vreg.gather [hbm4b:s1+s3], $0x80, v3, vm0, $0xb8;
	[tilespmem:$0x10080] =	vst v63  }
0x5a: {  	_ = 	snop  }
0x5b: {  	[tilespmem:s11], [sflag:$0x1] =	stream.indirect_vreg.gather [hbm4b:s4+s3], $0x80, v3, vm0, $0xb8;
	[tilespmem:$0x10080] =	vst v63  }
0x5c: {  	v3 =	vld [tilespmem:$0x40];
	_ =	sdelay $0x4  }
0x5d: {  	v60 =	vshll.u32 v3, $0x2  }
0x5e: {  	v3 =	vand.u32 $0x7, v3;
	v4 =	vand.u32 $0xFFFFFFE0, v60  }
0x5f: {  	v3 =	vor.u32 v3, v4  }
0x60: {  	v4 =	vperm.xlane v3, v0;
	_ =	sdelay $0x1  }
0x61: {  	v4 =	vadd.s32 v1, v4;
	_ =	sdelay $0x1  }
0x62: {  	v3 =	vperm.xlane v3, v2;
	_ =	sdelay $0x1  }
0x63: {  	v3 =	vadd.s32 v1, v3  }
0x64: {  	[tilespmem:s12], [sflag:$0x2] =	stream.indirect_vreg.gather [hbm4b:s1+s3], $0x80, v4, vm0, $0xb8;
	[tilespmem:$0x10080] =	vst v63  }
0x65: {  	_ = 	snop  }
0x66: {  	[tilespmem:s13], [sflag:$0x2] =	stream.indirect_vreg.gather [hbm4b:s4+s3], $0x80, v4, vm0, $0xb8;
	[tilespmem:$0x10080] =	vst v63  }
0x67: {  	_ = 	snop  }
0x68: {  	[tilespmem:s14], [sflag:$0x2] =	stream.indirect_vreg.gather [hbm4b:s1+s3], $0x80, v3, vm0, $0xb8;
	[tilespmem:$0x10080] =	vst v63  }
0x69: {  	_ = 	snop  }
0x6a: {  	[tilespmem:s15], [sflag:$0x2] =	stream.indirect_vreg.gather [hbm4b:s4+s3], $0x80, v3, vm0, $0xb8;
	[tilespmem:$0x10080] =	vst v63  }
0x6b: {  	v3 =	vld [tilespmem:$0x50];
	_ =	sdelay $0x4  }
0x6c: {  	v61 =	vshll.u32 v3, $0x2  }
0x6d: {  	v3 =	vand.u32 $0x7, v3;
	v4 =	vand.u32 $0xFFFFFFE0, v61  }
0x6e: {  	v3 =	vor.u32 v3, v4  }
0x6f: {  	v4 =	vperm.xlane v3, v0;
	_ =	sdelay $0x1  }
0x70: {  	v4 =	vadd.s32 v1, v4;
	_ =	sdelay $0x1  }
0x71: {  	v3 =	vperm.xlane v3, v2;
	_ =	sdelay $0x1  }
0x72: {  	v3 =	vadd.s32 v1, v3  }
0x73: {  	[tilespmem:s16], [sflag:$0x2] =	stream.indirect_vreg.gather [hbm4b:s1+s3], $0x80, v4, vm0, $0xb8;
	[tilespmem:$0x10080] =	vst v63  }
0x74: {  	_ = 	snop  }
0x75: {  	[tilespmem:s17], [sflag:$0x2] =	stream.indirect_vreg.gather [hbm4b:s4+s3], $0x80, v4, vm0, $0xb8;
	[tilespmem:$0x10080] =	vst v63  }
0x76: {  	_ = 	snop  }
0x77: {  	[tilespmem:s18], [sflag:$0x2] =	stream.indirect_vreg.gather [hbm4b:s1+s3], $0x80, v3, vm0, $0xb8;
	[tilespmem:$0x10080] =	vst v63  }
0x78: {  	_ = 	snop  }
0x79: {  	[tilespmem:s19], [sflag:$0x2] =	stream.indirect_vreg.gather [hbm4b:s4+s3], $0x80, v3, vm0, $0xb8;
	[tilespmem:$0x10080] =	vst v63  }
0x7a: {  	v3 =	vld [tilespmem:$0x60];
	_ =	sdelay $0x4  }
0x7b: {  	v62 =	vshll.u32 v3, $0x2  }
0x7c: {  	v3 =	vand.u32 $0x7, v3;
	v4 =	vand.u32 $0xFFFFFFE0, v62  }
0x7d: {  	v3 =	vor.u32 v3, v4  }
0x7e: {  	v4 =	vperm.xlane v3, v0;
	_ =	sdelay $0x1  }
0x7f: {  	v4 =	vadd.s32 v1, v4;
	_ =	sdelay $0x1  }
0x80: {  	v3 =	vperm.xlane v3, v2;
	_ =	sdelay $0x1  }
0x81: {  	v3 =	vadd.s32 v1, v3  }
0x82: {  	[tilespmem:s20], [sflag:$0x2] =	stream.indirect_vreg.gather [hbm4b:s1+s3], $0x80, v4, vm0, $0xb8;
	[tilespmem:$0x10080] =	vst v63  }
0x83: {  	_ = 	snop  }
0x84: {  	[tilespmem:s21], [sflag:$0x2] =	stream.indirect_vreg.gather [hbm4b:s4+s3], $0x80, v4, vm0, $0xb8;
	[tilespmem:$0x10080] =	vst v63  }
0x85: {  	_ = 	snop  }
0x86: {  	[tilespmem:s22], [sflag:$0x2] =	stream.indirect_vreg.gather [hbm4b:s1+s3], $0x80, v3, vm0, $0xb8;
	[tilespmem:$0x10080] =	vst v63  }
0x87: {  	_ = 	snop  }
0x88: {  	[tilespmem:s23], [sflag:$0x2] =	stream.indirect_vreg.gather [hbm4b:s4+s3], $0x80, v3, vm0, $0xb8;
	[tilespmem:$0x10080] =	vst v63  }
0x89: {  	v3 =	vld [tilespmem:$0x70];
	_ =	sdelay $0x4  }
0x8a: {  	v63 =	vshll.u32 v3, $0x2  }
0x8b: {  	v3 =	vand.u32 $0x7, v3;
	v4 =	vand.u32 $0xFFFFFFE0, v63  }
0x8c: {  	v3 =	vor.u32 v3, v4  }
0x8d: {  	v4 =	vperm.xlane v3, v0;
	_ =	sdelay $0x1  }
0x8e: {  	v4 =	vadd.s32 v1, v4;
	_ =	sdelay $0x1  }
0x8f: {  	v3 =	vperm.xlane v3, v2;
	_ =	sdelay $0x1  }
0x90: {  	v3 =	vadd.s32 v1, v3  }
0x91: {  	[tilespmem:s24], [sflag:$0x2] =	stream.indirect_vreg.gather [hbm4b:s1+s3], $0x80, v4, vm0, $0xb8;
	[tilespmem:$0x10080] =	vst v63  }
0x92: {  	_ = 	snop  }
0x93: {  	[tilespmem:s25], [sflag:$0x2] =	stream.indirect_vreg.gather [hbm4b:s4+s3], $0x80, v4, vm0, $0xb8;
	[tilespmem:$0x10080] =	vst v63  }
0x94: {  	_ = 	snop  }
0x95: {  	[tilespmem:s26], [sflag:$0x2] =	stream.indirect_vreg.gather [hbm4b:s1+s3], $0x80, v3, vm0, $0xb8;
	[tilespmem:$0x10080] =	vst v63  }
0x96: {  	_ = 	snop  }
0x97: {  	[tilespmem:s28], [sflag:$0x2] =	stream.indirect_vreg.gather [hbm4b:s4+s3], $0x80, v3, vm0, $0xb8;
	[tilespmem:$0x10080] =	vst v63  }
0x98: {  	_ =	swait.ge [sflag:s29], $0x8000  }
0x99: {  	[sflag:s29] =	ssyncset.done $0x0  }
0x9a: {  	s8 =	rddreg [dreg:$0x5];
	[sflag:s29] =	ssyncadd.s32 $0xFFFF8000  }
0x9b: {  	[hbm4b:s8+s3] =	stream.linear.scatter [tilespmem:s7], [sflag:$0x3], $0x8000, $0x38;
	[tilespmem:$0x10080] =	vst v63  }
0x9c: {  	_ =	swait.ge [sflag:s30], $0x8000  }
0x9d: {  	[sflag:s30] =	ssyncset.done $0x0  }
0x9e: {  	s8 =	rddreg [dreg:$0x6];
	[sflag:s30] =	ssyncadd.s32 $0xFFFF8000  }
0x9f: {  	[hbm4b:s8+s3] =	stream.linear.scatter [tilespmem:s12], [sflag:$0x4], $0x8000, $0x38;
	[tilespmem:$0x10080] =	vst v63  }
0xa0: {  	p0 =	sne.s32 s5, $0x1;
	_ =	swait.ge [sflag:s31], $0x8000  }
.Ltmp0:
0xa1: {  	[sflag:s31] =	ssyncset.done $0x0;
	(pc) =	sbr.rel @p0 .LBB2_1-.Ltmp0, $4  }
0xa2: {  	[sflag:s31] =	ssyncadd.s32 $0xFFFF8000  }
0xa3: {  	_ =	swait.ge [sflag:s2], $0x8000  }
0xa4: {  	[sflag:s2] =	ssyncset.done $0x0  }
0xa5: {  	s5 =	sadd.s32 $0xFFFFFFFF, s5;
	[sflag:s2] =	ssyncadd.s32 $0xFFFF8000  }
0xa6: {  	_ =	sfence.sel $0x180000  }
0xa7: {  	[bflag:$0x0] =	sbarrier.arrive $0xFFFF  }
0xa8: {  	_ =	strace $0x9000004A  }
0xa9: {  	s0 =	stileid.u32;
	[bflag:$0x2] =	sbarrier.arrive $0xFFFF  }
0xaa: {  	p0 =	sne.s32 s0, $0x0;
	s0 =	rddreg [dreg:$0x3]  }
0xab: {  	s0 =	sadd.s32 @!p0 $0x100000, s0  }
0xac: {  	[sflag:s0] =	ssyncadd.tile.s32 @!p0 $0x1;
	_ =	shalt  }
.Lfunc_end2:
_tile_overlayer_lowered:
.L_overlay_start_2:
0xad: {  	(tag) =	ssettag $0x2  }
0xae: {  	s0 =	rddreg [dreg:$0x0];
	s2 =	stileid.u32  }
0xaf: {  	s1 =	rddreg [dreg:$0x1];
	p0 =	sne.s32 s2, $0x0  }
0xb0: {  	s3 =	rddreg [dreg:$0x2];
	[bflag:$0x3] =	sbarrier.arrive $0xFFFF;
	s2 =	simm.s32 @!p0 $0x1C05  }
0xb1: {  	[timem:s3], [sflag:s2] =	dma.local @!p0 [hbm:s0], s1  }
0xb2: {  	s0 =	simm.s32 @!p0 $0x5  }
0xb3: {  	_ =	swait.ge @!p0 [sflag:s0], s1  }
0xb4: {  	s1 =	ssub.s32 @!p0 $0x0, s1;
	[sflag:s0] =	ssyncset.done @!p0 $0x0  }
0xb5: {  	[sflag:s0] =	ssyncadd.s32 @!p0 s1  }
0xb6: {  	[bflag:$0x3] =	sbarrier.arrive $0xFFFF  }
0xb7: {  	_ =	shalt  }

</sc_bundles>
